<compile_context>
chip_gen: v7x
topology: tpu7x:2x2x1
jax: 0.10.2.dev20260603
libtpu: 0.0.44.dev20260713+nightly
codegen_flags: <defaults>
</compile_context>

<pallas_src>
import functools

import jax
import jax.numpy as jnp
from jax import lax
from jax.experimental import pallas as pl
from jax.experimental.pallas import tpu as pltpu
from jax.experimental.pallas import tpu_sc as plsc

NUM_EMB = 8192
DIM = 64
ROWS = 16384
COMMITMENT_COST = 0.25

BLK_R = 1024
BLK_K = 512
N_R = ROWS // BLK_R
N_KC = NUM_EMB // BLK_K
HW = 1024
R_PER_IMG = HW // BLK_R


def _dist_body(x_ref, rn_ref, w_ref, wn_ref, idx_ref, md_ref):
    row = pl.program_id(1)
    x_t = x_ref[...].reshape(DIM, BLK_R)
    rn = rn_ref[...]
    fiota0 = lax.broadcasted_iota(
        jnp.int32, (BLK_K, BLK_R), 0).astype(jnp.float32)
    s = None
    idx = None
    for c in range(N_KC):
        w = w_ref[pl.ds(c * BLK_K, BLK_K), :]
        wn = wn_ref[pl.ds(c * BLK_K, BLK_K), :]
        mm = lax.dot_general(w, x_t, (((1,), (0,)), ((), ())),
                             preferred_element_type=jnp.float32)
        d2 = (rn + wn) - 2.0 * mm
        dist = jnp.sqrt(jnp.maximum(d2, 0.0))
        s_c = jnp.min(dist, axis=0, keepdims=True)
        i_c = jnp.min(jnp.where(dist == s_c, fiota0, 65536.0), axis=0,
                      keepdims=True) + jnp.float32(c * BLK_K)
        if c == 0:
            s, idx = s_c, i_c
        else:
            idx = jnp.where(s_c < s, i_c, idx)
            s = jnp.minimum(s, s_c)
    idx_ref[pl.ds(row, 1), :] = idx.astype(jnp.int32)
    md_ref[pl.ds(row, 1), :] = s * s


def _assign_codes(x3, rn, weight, wn, interpret=False):
    return pl.pallas_call(
        _dist_body,
        grid=(N_R // 8, 8),
        in_specs=[
            pl.BlockSpec((1, DIM, BLK_R),
                         lambda i, j: ((8 * i + j) // R_PER_IMG, 0,
                                       (8 * i + j) % R_PER_IMG)),
            pl.BlockSpec((1, BLK_R), lambda i, j: (0, 8 * i + j)),
            pl.BlockSpec((NUM_EMB, DIM), lambda i, j: (0, 0)),
            pl.BlockSpec((NUM_EMB, 1), lambda i, j: (0, 0)),
        ],
        out_specs=[
            pl.BlockSpec((8, BLK_R), lambda i, j: (i, 0)),
            pl.BlockSpec((8, BLK_R), lambda i, j: (i, 0)),
        ],
        out_shape=[
            jax.ShapeDtypeStruct((N_R, BLK_R), jnp.int32),
            jax.ShapeDtypeStruct((N_R, BLK_R), jnp.float32),
        ],
        compiler_params=pltpu.CompilerParams(
            dimension_semantics=("parallel", "arbitrary")),
        interpret=interpret,
    )(x3, rn, weight, wn)


_NW = 32
_B_PER_W = ROWS // _NW
_IDX_CH = 128
_CH_PER_W = _B_PER_W // _IDX_CH
_GDIM = 128


def _make_sc_gather():
    mesh = plsc.VectorSubcoreMesh(core_axis_name="c", subcore_axis_name="s")

    @functools.partial(
        pl.kernel,
        mesh=mesh,
        out_type=jax.ShapeDtypeStruct((ROWS, _GDIM), jnp.float32),
        scratch_types=[
            pltpu.VMEM((_CH_PER_W, _IDX_CH), jnp.int32),
            pltpu.VMEM((_B_PER_W, _GDIM), jnp.float32),
            pltpu.SemaphoreType.DMA,
        ],
    )
    def gather_k(table_hbm, idx_hbm, out_hbm, idx_v, rows_v, sem):
        wid = lax.axis_index("s") * 2 + lax.axis_index("c")
        base = wid * _B_PER_W
        pltpu.sync_copy(idx_hbm.at[pl.ds(wid * _CH_PER_W, _CH_PER_W)], idx_v)
        copies = []
        for j in range(_CH_PER_W):
            copies.append(pltpu.async_copy(
                table_hbm.at[idx_v.at[j]],
                rows_v.at[pl.ds(j * _IDX_CH, _IDX_CH)], sem))
        for cp in copies:
            cp.wait()
        pltpu.sync_copy(rows_v, out_hbm.at[pl.ds(base, _B_PER_W)])

    return gather_k


_sc_gather_cache = []


def _sc_gather(table, idx2d):
    if not _sc_gather_cache:
        _sc_gather_cache.append(_make_sc_gather())
    return _sc_gather_cache[0](table, idx2d)


def kernel(inputs, weight):
    n, ch, h, w = inputs.shape
    x3 = inputs.reshape(n, ch, h * w)
    rn = jnp.sum(x3 * x3, axis=1).reshape(1, ROWS)
    wn = jnp.sum(weight * weight, axis=1)[:, None]
    idx, md = _assign_codes(x3, rn, weight, wn)
    idx2d = idx.reshape(ROWS // _IDX_CH, _IDX_CH)
    wpad = jnp.pad(weight, ((0, 0), (0, _GDIM - DIM)))
    quantized = _sc_gather(wpad, idx2d)[:, :DIM]
    m = jnp.sum(md) / (ROWS * DIM)
    c_loss = m + COMMITMENT_COST * m
    quantized = quantized.reshape(n, h, w, ch)
    quantized = jnp.transpose(quantized, (0, 3, 1, 2))
    return (c_loss, quantized)

# --- scband reference (transcript-rebuilt; emitter-appended) ---
"""Pipeline reference for scband-vq-43130061586925 (READ-ONLY COPY).

The authoritative reference and input builder live on the scoring server;
editing this copy changes nothing except your own understanding.
"""

import jax, jax.numpy as jnp
import numpy as np

NUM_EMBEDDINGS = 8192
EMBEDDING_DIM = 64
COMMITMENT_COST = 0.25


def setup_inputs(seed: int = 0) -> dict:
    key = jax.random.key(seed)
    k1, k2 = jax.random.split(key)
    inputs = jax.random.normal(k1, (16, 64, 32, 32), dtype=jnp.float32)
    weight = jax.random.uniform(
        k2, (NUM_EMBEDDINGS, EMBEDDING_DIM),
        minval=-1.0 / NUM_EMBEDDINGS, maxval=1.0 / NUM_EMBEDDINGS,
        dtype=jnp.float32)
    return {"inputs": inputs, "weight": weight}


def reference(inputs, weight):
    # permute NCHW -> NHWC
    x = jnp.transpose(inputs, (0, 2, 3, 1))
    input_shape = x.shape
    flat = x.reshape(-1, EMBEDDING_DIM)
    # torch.cdist (euclidean)
    d2 = (jnp.sum(flat * flat, axis=1, keepdims=True)
          + jnp.sum(weight * weight, axis=1)[None, :]
          - 2.0 * (flat @ weight.T))
    distances = jnp.sqrt(jnp.maximum(d2, 0.0))
    encoding_index = jnp.argmin(distances, axis=1)
    quantized = jnp.take(weight, encoding_index, axis=0).reshape(input_shape)
    e_latent_loss = jnp.mean((jax.lax.stop_gradient(quantized) - x) ** 2)
    q_latent_loss = jnp.mean((quantized - jax.lax.stop_gradient(x)) ** 2)
    c_loss = q_latent_loss + COMMITMENT_COST * e_latent_loss
    # straight-through estimator
    quantized = x + jax.lax.stop_gradient(quantized - x)
    quantized = jnp.transpose(quantized, (0, 3, 1, 2))
    return (c_loss, quantized)

if __name__ == "__main__":
    import jax
    _d = setup_inputs()
    print(jax.jit(kernel)(*tuple(_d.values())))

</pallas_src>

<mosaic_0001>
#map = affine_map<(d0, d1) -> (0, 0)>
module attributes {stable_mosaic.version = 14 : i64} {
  func.func @gather_k(%arg0: i32, %arg1: i32, %arg2: memref<8192x128xf32, #tpu.memory_space<hbm>>, %arg3: memref<128x128xi32, #tpu.memory_space<hbm>>, %arg4: memref<16384x128xf32, #tpu.memory_space<hbm>>, %arg5: memref<4x128xi32, #tpu.memory_space<vmem>>, %arg6: memref<512x128xf32, #tpu.memory_space<vmem>>, %arg7: memref<!tpu.dma_semaphore, #tpu.memory_space<semaphore_mem>>) attributes {dimension_semantics = [#tpu.dimension_semantics<core_parallel>, #tpu.dimension_semantics<subcore_parallel>], iteration_bounds = array<i64: 2, 16>, scalar_prefetch = 0 : i64, scratch_operands = 3 : i64, tpu.core_type = #tpu.core_type<sc_vector_subcore>, window_params = [{transform_indices = #map}, {transform_indices = #map}, {transform_indices = #map}]} {
    %mul3A = arith.constant 2 : i32
    %mul3A_0 = arith.muli %arg1, %mul3A : i32
    %add3A = arith.addi %mul3A_0, %arg0 : i32
    %mul3A_1 = arith.constant 512 : i32
    %mul3A_2 = arith.muli %add3A, %mul3A_1 : i32
    %mul3A_3 = arith.constant 4 : i32
    %mul3A_4 = arith.muli %add3A, %mul3A_3 : i32
    "tpu.region"() ({
      %run_scoped3A = tpu.sem_alloc : memref<!tpu.dma_semaphore, #tpu.memory_space<semaphore_mem>>
      %dma_start3A_83 = arith.constant 0 : i32
      %dma_start3A_84 = tpu.memref_slice %arg3[%mul3A_4, %dma_start3A_83] : memref<128x128xi32, #tpu.memory_space<hbm>> -> memref<4x128xi32, #tpu.memory_space<hbm>>
      %dma_start3A_85 = arith.constant 0 : i32
      %dma_start3A_86 = tpu.memref_slice %arg3[%mul3A_4, %dma_start3A_85] : memref<128x128xi32, #tpu.memory_space<hbm>> -> memref<4x128xi32, #tpu.memory_space<hbm>>
      tpu.enqueue_dma source(%dma_start3A_86 : memref<4x128xi32, #tpu.memory_space<hbm>>) target(%arg5 : memref<4x128xi32, #tpu.memory_space<vmem>>) target_semaphore(%run_scoped3A : memref<!tpu.dma_semaphore, #tpu.memory_space<semaphore_mem>>)
      %dma_wait3A_87 = arith.constant 0 : i32
      %dma_wait3A_88 = tpu.memref_slice %arg3[%mul3A_4, %dma_wait3A_87] : memref<128x128xi32, #tpu.memory_space<hbm>> -> memref<4x128xi32, #tpu.memory_space<hbm>>
      %dma_wait3A_89 = arith.constant 0 : i32
      %dma_wait3A_90 = tpu.memref_slice %arg3[%mul3A_4, %dma_wait3A_89] : memref<128x128xi32, #tpu.memory_space<hbm>> -> memref<4x128xi32, #tpu.memory_space<hbm>>
      tpu.wait_dma2 semaphore(%run_scoped3A : memref<!tpu.dma_semaphore, #tpu.memory_space<semaphore_mem>>) src(%dma_wait3A_90 : memref<4x128xi32, #tpu.memory_space<hbm>>) dst(%arg5 : memref<4x128xi32, #tpu.memory_space<vmem>>)
      tpu.yield
    }) : () -> ()
    %dma_start3A = arith.constant 0 : i32
    %dma_start3A_5 = arith.constant 0 : i32
    %dma_start3A_6 = arith.constant 0 : i32
    %dma_start3A_7 = tpu.memref_slice %arg6[%dma_start3A_5, %dma_start3A_6] : memref<512x128xf32, #tpu.memory_space<vmem>> -> memref<128x128xf32, #tpu.memory_space<vmem>>
    %dma_start3A_8 = arith.constant 0 : i32
    %dma_start3A_9 = tpu.memref_slice %arg5[%dma_start3A, %dma_start3A_8] : memref<4x128xi32, #tpu.memory_space<vmem>> -> memref<1x128xi32, #tpu.memory_space<vmem>>
    %dma_start3A_10 = tpu.memref_squeeze %dma_start3A_9 : memref<1x128xi32, #tpu.memory_space<vmem>> -> memref<128xi32, #tpu.memory_space<vmem>>
    %dma_start3A_11 = arith.constant 0 : i32
    %dma_start3A_12 = arith.constant 0 : i32
    %dma_start3A_13 = tpu.memref_slice %arg2[%dma_start3A_11, %dma_start3A_12] : memref<8192x128xf32, #tpu.memory_space<hbm>> -> memref<8192x128xf32, #tpu.memory_space<hbm>>
    tpu.enqueue_indirect_dma source(%dma_start3A_13 : memref<8192x128xf32, #tpu.memory_space<hbm>>) target(%dma_start3A_7 : memref<128x128xf32, #tpu.memory_space<vmem>>) offsets(%dma_start3A_10 : memref<128xi32, #tpu.memory_space<vmem>>) semaphore(%arg7 : memref<!tpu.dma_semaphore, #tpu.memory_space<semaphore_mem>>)
    %dma_start3A_14 = arith.constant 1 : i32
    %dma_start3A_15 = arith.constant 128 : i32
    %dma_start3A_16 = arith.constant 0 : i32
    %dma_start3A_17 = tpu.memref_slice %arg6[%dma_start3A_15, %dma_start3A_16] : memref<512x128xf32, #tpu.memory_space<vmem>> -> memref<128x128xf32, #tpu.memory_space<vmem>>
    %dma_start3A_18 = arith.constant 0 : i32
    %dma_start3A_19 = tpu.memref_slice %arg5[%dma_start3A_14, %dma_start3A_18] : memref<4x128xi32, #tpu.memory_space<vmem>> -> memref<1x128xi32, #tpu.memory_space<vmem>>
    %dma_start3A_20 = tpu.memref_squeeze %dma_start3A_19 : memref<1x128xi32, #tpu.memory_space<vmem>> -> memref<128xi32, #tpu.memory_space<vmem>>
    %dma_start3A_21 = arith.constant 0 : i32
    %dma_start3A_22 = arith.constant 0 : i32
    %dma_start3A_23 = tpu.memref_slice %arg2[%dma_start3A_21, %dma_start3A_22] : memref<8192x128xf32, #tpu.memory_space<hbm>> -> memref<8192x128xf32, #tpu.memory_space<hbm>>
    tpu.enqueue_indirect_dma source(%dma_start3A_23 : memref<8192x128xf32, #tpu.memory_space<hbm>>) target(%dma_start3A_17 : memref<128x128xf32, #tpu.memory_space<vmem>>) offsets(%dma_start3A_20 : memref<128xi32, #tpu.memory_space<vmem>>) semaphore(%arg7 : memref<!tpu.dma_semaphore, #tpu.memory_space<semaphore_mem>>)
    %dma_start3A_24 = arith.constant 2 : i32
    %dma_start3A_25 = arith.constant 256 : i32
    %dma_start3A_26 = arith.constant 0 : i32
    %dma_start3A_27 = tpu.memref_slice %arg6[%dma_start3A_25, %dma_start3A_26] : memref<512x128xf32, #tpu.memory_space<vmem>> -> memref<128x128xf32, #tpu.memory_space<vmem>>
    %dma_start3A_28 = arith.constant 0 : i32
    %dma_start3A_29 = tpu.memref_slice %arg5[%dma_start3A_24, %dma_start3A_28] : memref<4x128xi32, #tpu.memory_space<vmem>> -> memref<1x128xi32, #tpu.memory_space<vmem>>
    %dma_start3A_30 = tpu.memref_squeeze %dma_start3A_29 : memref<1x128xi32, #tpu.memory_space<vmem>> -> memref<128xi32, #tpu.memory_space<vmem>>
    %dma_start3A_31 = arith.constant 0 : i32
    %dma_start3A_32 = arith.constant 0 : i32
    %dma_start3A_33 = tpu.memref_slice %arg2[%dma_start3A_31, %dma_start3A_32] : memref<8192x128xf32, #tpu.memory_space<hbm>> -> memref<8192x128xf32, #tpu.memory_space<hbm>>
    tpu.enqueue_indirect_dma source(%dma_start3A_33 : memref<8192x128xf32, #tpu.memory_space<hbm>>) target(%dma_start3A_27 : memref<128x128xf32, #tpu.memory_space<vmem>>) offsets(%dma_start3A_30 : memref<128xi32, #tpu.memory_space<vmem>>) semaphore(%arg7 : memref<!tpu.dma_semaphore, #tpu.memory_space<semaphore_mem>>)
    %dma_start3A_34 = arith.constant 3 : i32
    %dma_start3A_35 = arith.constant 384 : i32
    %dma_start3A_36 = arith.constant 0 : i32
    %dma_start3A_37 = tpu.memref_slice %arg6[%dma_start3A_35, %dma_start3A_36] : memref<512x128xf32, #tpu.memory_space<vmem>> -> memref<128x128xf32, #tpu.memory_space<vmem>>
    %dma_start3A_38 = arith.constant 0 : i32
    %dma_start3A_39 = tpu.memref_slice %arg5[%dma_start3A_34, %dma_start3A_38] : memref<4x128xi32, #tpu.memory_space<vmem>> -> memref<1x128xi32, #tpu.memory_space<vmem>>
    %dma_start3A_40 = tpu.memref_squeeze %dma_start3A_39 : memref<1x128xi32, #tpu.memory_space<vmem>> -> memref<128xi32, #tpu.memory_space<vmem>>
    %dma_start3A_41 = arith.constant 0 : i32
    %dma_start3A_42 = arith.constant 0 : i32
    %dma_start3A_43 = tpu.memref_slice %arg2[%dma_start3A_41, %dma_start3A_42] : memref<8192x128xf32, #tpu.memory_space<hbm>> -> memref<8192x128xf32, #tpu.memory_space<hbm>>
    tpu.enqueue_indirect_dma source(%dma_start3A_43 : memref<8192x128xf32, #tpu.memory_space<hbm>>) target(%dma_start3A_37 : memref<128x128xf32, #tpu.memory_space<vmem>>) offsets(%dma_start3A_40 : memref<128xi32, #tpu.memory_space<vmem>>) semaphore(%arg7 : memref<!tpu.dma_semaphore, #tpu.memory_space<semaphore_mem>>)
    %dma_wait3A = arith.constant 0 : i32
    %dma_wait3A_44 = arith.constant 0 : i32
    %dma_wait3A_45 = arith.constant 0 : i32
    %dma_wait3A_46 = tpu.memref_slice %arg6[%dma_wait3A_44, %dma_wait3A_45] : memref<512x128xf32, #tpu.memory_space<vmem>> -> memref<128x128xf32, #tpu.memory_space<vmem>>
    %dma_wait3A_47 = arith.constant 0 : i32
    %dma_wait3A_48 = tpu.memref_slice %arg5[%dma_wait3A, %dma_wait3A_47] : memref<4x128xi32, #tpu.memory_space<vmem>> -> memref<1x128xi32, #tpu.memory_space<vmem>>
    %dma_wait3A_49 = tpu.memref_squeeze %dma_wait3A_48 : memref<1x128xi32, #tpu.memory_space<vmem>> -> memref<128xi32, #tpu.memory_space<vmem>>
    %dma_wait3A_50 = arith.constant 0 : i32
    %dma_wait3A_51 = arith.constant 0 : i32
    %dma_wait3A_52 = tpu.memref_slice %arg2[%dma_wait3A_50, %dma_wait3A_51] : memref<8192x128xf32, #tpu.memory_space<hbm>> -> memref<8192x128xf32, #tpu.memory_space<hbm>>
    tpu.wait_indirect_dma semaphore(%arg7 : memref<!tpu.dma_semaphore, #tpu.memory_space<semaphore_mem>>) src(%dma_wait3A_52 : memref<8192x128xf32, #tpu.memory_space<hbm>>) dst(%dma_wait3A_46 : memref<128x128xf32, #tpu.memory_space<vmem>>)
    %dma_wait3A_53 = arith.constant 1 : i32
    %dma_wait3A_54 = arith.constant 128 : i32
    %dma_wait3A_55 = arith.constant 0 : i32
    %dma_wait3A_56 = tpu.memref_slice %arg6[%dma_wait3A_54, %dma_wait3A_55] : memref<512x128xf32, #tpu.memory_space<vmem>> -> memref<128x128xf32, #tpu.memory_space<vmem>>
    %dma_wait3A_57 = arith.constant 0 : i32
    %dma_wait3A_58 = tpu.memref_slice %arg5[%dma_wait3A_53, %dma_wait3A_57] : memref<4x128xi32, #tpu.memory_space<vmem>> -> memref<1x128xi32, #tpu.memory_space<vmem>>
    %dma_wait3A_59 = tpu.memref_squeeze %dma_wait3A_58 : memref<1x128xi32, #tpu.memory_space<vmem>> -> memref<128xi32, #tpu.memory_space<vmem>>
    %dma_wait3A_60 = arith.constant 0 : i32
    %dma_wait3A_61 = arith.constant 0 : i32
    %dma_wait3A_62 = tpu.memref_slice %arg2[%dma_wait3A_60, %dma_wait3A_61] : memref<8192x128xf32, #tpu.memory_space<hbm>> -> memref<8192x128xf32, #tpu.memory_space<hbm>>
    tpu.wait_indirect_dma semaphore(%arg7 : memref<!tpu.dma_semaphore, #tpu.memory_space<semaphore_mem>>) src(%dma_wait3A_62 : memref<8192x128xf32, #tpu.memory_space<hbm>>) dst(%dma_wait3A_56 : memref<128x128xf32, #tpu.memory_space<vmem>>)
    %dma_wait3A_63 = arith.constant 2 : i32
    %dma_wait3A_64 = arith.constant 256 : i32
    %dma_wait3A_65 = arith.constant 0 : i32
    %dma_wait3A_66 = tpu.memref_slice %arg6[%dma_wait3A_64, %dma_wait3A_65] : memref<512x128xf32, #tpu.memory_space<vmem>> -> memref<128x128xf32, #tpu.memory_space<vmem>>
    %dma_wait3A_67 = arith.constant 0 : i32
    %dma_wait3A_68 = tpu.memref_slice %arg5[%dma_wait3A_63, %dma_wait3A_67] : memref<4x128xi32, #tpu.memory_space<vmem>> -> memref<1x128xi32, #tpu.memory_space<vmem>>
    %dma_wait3A_69 = tpu.memref_squeeze %dma_wait3A_68 : memref<1x128xi32, #tpu.memory_space<vmem>> -> memref<128xi32, #tpu.memory_space<vmem>>
    %dma_wait3A_70 = arith.constant 0 : i32
    %dma_wait3A_71 = arith.constant 0 : i32
    %dma_wait3A_72 = tpu.memref_slice %arg2[%dma_wait3A_70, %dma_wait3A_71] : memref<8192x128xf32, #tpu.memory_space<hbm>> -> memref<8192x128xf32, #tpu.memory_space<hbm>>
    tpu.wait_indirect_dma semaphore(%arg7 : memref<!tpu.dma_semaphore, #tpu.memory_space<semaphore_mem>>) src(%dma_wait3A_72 : memref<8192x128xf32, #tpu.memory_space<hbm>>) dst(%dma_wait3A_66 : memref<128x128xf32, #tpu.memory_space<vmem>>)
    %dma_wait3A_73 = arith.constant 3 : i32
    %dma_wait3A_74 = arith.constant 384 : i32
    %dma_wait3A_75 = arith.constant 0 : i32
    %dma_wait3A_76 = tpu.memref_slice %arg6[%dma_wait3A_74, %dma_wait3A_75] : memref<512x128xf32, #tpu.memory_space<vmem>> -> memref<128x128xf32, #tpu.memory_space<vmem>>
    %dma_wait3A_77 = arith.constant 0 : i32
    %dma_wait3A_78 = tpu.memref_slice %arg5[%dma_wait3A_73, %dma_wait3A_77] : memref<4x128xi32, #tpu.memory_space<vmem>> -> memref<1x128xi32, #tpu.memory_space<vmem>>
    %dma_wait3A_79 = tpu.memref_squeeze %dma_wait3A_78 : memref<1x128xi32, #tpu.memory_space<vmem>> -> memref<128xi32, #tpu.memory_space<vmem>>
    %dma_wait3A_80 = arith.constant 0 : i32
    %dma_wait3A_81 = arith.constant 0 : i32
    %dma_wait3A_82 = tpu.memref_slice %arg2[%dma_wait3A_80, %dma_wait3A_81] : memref<8192x128xf32, #tpu.memory_space<hbm>> -> memref<8192x128xf32, #tpu.memory_space<hbm>>
    tpu.wait_indirect_dma semaphore(%arg7 : memref<!tpu.dma_semaphore, #tpu.memory_space<semaphore_mem>>) src(%dma_wait3A_82 : memref<8192x128xf32, #tpu.memory_space<hbm>>) dst(%dma_wait3A_76 : memref<128x128xf32, #tpu.memory_space<vmem>>)
    "tpu.region"() ({
      %run_scoped3A = tpu.sem_alloc : memref<!tpu.dma_semaphore, #tpu.memory_space<semaphore_mem>>
      %dma_start3A_83 = arith.constant 0 : i32
      %dma_start3A_84 = tpu.memref_slice %arg4[%mul3A_2, %dma_start3A_83] : memref<16384x128xf32, #tpu.memory_space<hbm>> -> memref<512x128xf32, #tpu.memory_space<hbm>>
      %dma_start3A_85 = arith.constant 0 : i32
      %dma_start3A_86 = tpu.memref_slice %arg4[%mul3A_2, %dma_start3A_85] : memref<16384x128xf32, #tpu.memory_space<hbm>> -> memref<512x128xf32, #tpu.memory_space<hbm>>
      tpu.enqueue_dma source(%arg6 : memref<512x128xf32, #tpu.memory_space<vmem>>) target(%dma_start3A_86 : memref<512x128xf32, #tpu.memory_space<hbm>>) target_semaphore(%run_scoped3A : memref<!tpu.dma_semaphore, #tpu.memory_space<semaphore_mem>>)
      %dma_wait3A_87 = arith.constant 0 : i32
      %dma_wait3A_88 = tpu.memref_slice %arg4[%mul3A_2, %dma_wait3A_87] : memref<16384x128xf32, #tpu.memory_space<hbm>> -> memref<512x128xf32, #tpu.memory_space<hbm>>
      %dma_wait3A_89 = arith.constant 0 : i32
      %dma_wait3A_90 = tpu.memref_slice %arg4[%mul3A_2, %dma_wait3A_89] : memref<16384x128xf32, #tpu.memory_space<hbm>> -> memref<512x128xf32, #tpu.memory_space<hbm>>
      tpu.wait_dma2 semaphore(%run_scoped3A : memref<!tpu.dma_semaphore, #tpu.memory_space<semaphore_mem>>) src(%arg6 : memref<512x128xf32, #tpu.memory_space<vmem>>) dst(%dma_wait3A_90 : memref<512x128xf32, #tpu.memory_space<hbm>>)
      tpu.yield
    }) : () -> ()
    return
  }
}

module attributes {stable_mosaic.version = 14 : i64} {
  func.func @_dist_body(%arg0: i32, %arg1: i32, %arg2: memref<1x64x1024xf32, #tpu.memory_space<vmem>>, %arg3: memref<1x1024xf32, #tpu.memory_space<vmem>>, %arg4: memref<8192x64xf32, #tpu.memory_space<vmem>>, %arg5: memref<8192x1xf32, #tpu.memory_space<vmem>>, %arg6: memref<8x1024xi32, #tpu.memory_space<vmem>>, %arg7: memref<8x1024xf32, #tpu.memory_space<vmem>>) attributes {dimension_semantics = [#tpu.dimension_semantics<parallel>, #tpu.dimension_semantics<arbitrary>], iteration_bounds = array<i64: 2, 8>, scalar_prefetch = 0 : i64, scratch_operands = 0 : i64, tpu.core_type = #tpu.core_type<tc>, window_params = [{transform_indices = @transform_0, window_bounds = array<i64: 1, 64, 1024>}, {transform_indices = @transform_1, window_bounds = array<i64: 1, 1024>}, {pipeline_mode = #tpu.pipeline_mode<synchronous>, transform_indices = @transform_2, window_bounds = array<i64: 8192, 64>}, {pipeline_mode = #tpu.pipeline_mode<synchronous>, transform_indices = @transform_3, window_bounds = array<i64: 8192, 1>}, {transform_indices = @transform_4, window_bounds = array<i64: 8, 1024>}, {transform_indices = @transform_5, window_bounds = array<i64: 8, 1024>}]} {
    %get3A = arith.constant 0 : index
    %get3A_0 = arith.constant 0 : index
    %get3A_1 = arith.constant 0 : index
    %get3A_2 = vector.load %arg2[%get3A, %get3A_0, %get3A_1] : memref<1x64x1024xf32, #tpu.memory_space<vmem>>, vector<1x64x1024xf32>
    %reshape3A = vector.shape_cast %get3A_2 : vector<1x64x1024xf32> to vector<64x1024xf32>
    %get3A_3 = arith.constant 0 : index
    %get3A_4 = arith.constant 0 : index
    %get3A_5 = vector.load %arg3[%get3A_3, %get3A_4] : memref<1x1024xf32, #tpu.memory_space<vmem>>, vector<1x1024xf32>
    %iota3A = tpu.iota {dimensions = array<i32: 0>} : vector<512x1024xi32>
    %convert_element_type3A = arith.sitofp %iota3A : vector<512x1024xi32> to vector<512x1024xf32>
    %get3A_6 = arith.constant 0 : index
    %get3A_7 = arith.constant 0 : index
    %get3A_8 = vector.load %arg4[%get3A_6, %get3A_7] : memref<8192x64xf32, #tpu.memory_space<vmem>>, vector<512x64xf32>
    %get3A_9 = arith.constant 0 : index
    %get3A_10 = arith.constant 0 : index
    %get3A_11 = vector.load %arg5[%get3A_9, %get3A_10] : memref<8192x1xf32, #tpu.memory_space<vmem>>, vector<512x1xf32>
    %dot_general3A = arith.constant dense<0.000000e+00> : vector<512x1024xf32>
    %dot_general3A_12 = tpu.matmul %get3A_8, %reshape3A, %dot_general3A {dimension_numbers = #tpu.dot_dimension_numbers<[1], [0], [0], [1], [0, 0, 1, 1], [], []>, transpose_lhs_hint = false} : vector<512x64xf32>, vector<64x1024xf32>, vector<512x1024xf32> -> vector<512x1024xf32>
    %add3A = vector.broadcast %get3A_5 : vector<1x1024xf32> to vector<512x1024xf32>
    %add3A_13 = vector.broadcast %get3A_11 : vector<512x1xf32> to vector<512x1024xf32>
    %add3A_14 = arith.addf %add3A, %add3A_13 : vector<512x1024xf32>
    %mul3A = arith.constant 2.000000e+00 : f32
    %mul3A_15 = vector.broadcast %mul3A : f32 to vector<512x1024xf32>
    %mul3A_16 = arith.mulf %mul3A_15, %dot_general3A_12 : vector<512x1024xf32>
    %sub3A = arith.subf %add3A_14, %mul3A_16 : vector<512x1024xf32>
    %max3A = arith.constant 0.000000e+00 : f32
    %max3A_17 = vector.broadcast %max3A : f32 to vector<512x1024xf32>
    %max3A_18 = arith.maximumf %sub3A, %max3A_17 : vector<512x1024xf32>
    %sqrt3A = math.sqrt %max3A_18 : vector<512x1024xf32>
    %reduce_min3A = arith.constant dense<0x7F800000> : vector<1024xf32>
    %reduce_min3A_19 = vector.multi_reduction <minimumf>, %sqrt3A, %reduce_min3A [0] : vector<512x1024xf32> to vector<1024xf32>
    %broadcast_in_dim3A = vector.shape_cast %reduce_min3A_19 : vector<1024xf32> to vector<1x1024xf32>
    %eq3A = vector.broadcast %broadcast_in_dim3A : vector<1x1024xf32> to vector<512x1024xf32>
    %eq3A_20 = arith.cmpf oeq, %sqrt3A, %eq3A : vector<512x1024xf32>
    %jit3A = arith.constant 6.553600e+04 : f32
    %broadcast_in_dim3A_21 = vector.broadcast %jit3A : f32 to vector<512x1024xf32>
    %select_n3A = arith.select %eq3A_20, %convert_element_type3A, %broadcast_in_dim3A_21 : vector<512x1024xi1>, vector<512x1024xf32>
    %reduce_min3A_22 = arith.constant dense<0x7F800000> : vector<1024xf32>
    %reduce_min3A_23 = vector.multi_reduction <minimumf>, %select_n3A, %reduce_min3A_22 [0] : vector<512x1024xf32> to vector<1024xf32>
    %broadcast_in_dim3A_24 = vector.shape_cast %reduce_min3A_23 : vector<1024xf32> to vector<1x1024xf32>
    %add3A_25 = arith.constant 0.000000e+00 : f32
    %add3A_26 = vector.broadcast %add3A_25 : f32 to vector<1x1024xf32>
    %add3A_27 = arith.addf %broadcast_in_dim3A_24, %add3A_26 : vector<1x1024xf32>
    %get3A_28 = arith.constant 512 : index
    %get3A_29 = arith.constant 0 : index
    %get3A_30 = vector.load %arg4[%get3A_28, %get3A_29] : memref<8192x64xf32, #tpu.memory_space<vmem>>, vector<512x64xf32>
    %get3A_31 = arith.constant 512 : index
    %get3A_32 = arith.constant 0 : index
    %get3A_33 = vector.load %arg5[%get3A_31, %get3A_32] : memref<8192x1xf32, #tpu.memory_space<vmem>>, vector<512x1xf32>
    %dot_general3A_34 = arith.constant dense<0.000000e+00> : vector<512x1024xf32>
    %dot_general3A_35 = tpu.matmul %get3A_30, %reshape3A, %dot_general3A_34 {dimension_numbers = #tpu.dot_dimension_numbers<[1], [0], [0], [1], [0, 0, 1, 1], [], []>, transpose_lhs_hint = false} : vector<512x64xf32>, vector<64x1024xf32>, vector<512x1024xf32> -> vector<512x1024xf32>
    %add3A_36 = vector.broadcast %get3A_5 : vector<1x1024xf32> to vector<512x1024xf32>
    %add3A_37 = vector.broadcast %get3A_33 : vector<512x1xf32> to vector<512x1024xf32>
    %add3A_38 = arith.addf %add3A_36, %add3A_37 : vector<512x1024xf32>
    %mul3A_39 = arith.constant 2.000000e+00 : f32
    %mul3A_40 = vector.broadcast %mul3A_39 : f32 to vector<512x1024xf32>
    %mul3A_41 = arith.mulf %mul3A_40, %dot_general3A_35 : vector<512x1024xf32>
    %sub3A_42 = arith.subf %add3A_38, %mul3A_41 : vector<512x1024xf32>
    %max3A_43 = arith.constant 0.000000e+00 : f32
    %max3A_44 = vector.broadcast %max3A_43 : f32 to vector<512x1024xf32>
    %max3A_45 = arith.maximumf %sub3A_42, %max3A_44 : vector<512x1024xf32>
    %sqrt3A_46 = math.sqrt %max3A_45 : vector<512x1024xf32>
    %reduce_min3A_47 = arith.constant dense<0x7F800000> : vector<1024xf32>
    %reduce_min3A_48 = vector.multi_reduction <minimumf>, %sqrt3A_46, %reduce_min3A_47 [0] : vector<512x1024xf32> to vector<1024xf32>
    %broadcast_in_dim3A_49 = vector.shape_cast %reduce_min3A_48 : vector<1024xf32> to vector<1x1024xf32>
    %eq3A_50 = vector.broadcast %broadcast_in_dim3A_49 : vector<1x1024xf32> to vector<512x1024xf32>
    %eq3A_51 = arith.cmpf oeq, %sqrt3A_46, %eq3A_50 : vector<512x1024xf32>
    %jit3A_52 = arith.constant 6.553600e+04 : f32
    %broadcast_in_dim3A_53 = vector.broadcast %jit3A_52 : f32 to vector<512x1024xf32>
    %select_n3A_54 = arith.select %eq3A_51, %convert_element_type3A, %broadcast_in_dim3A_53 : vector<512x1024xi1>, vector<512x1024xf32>
    %reduce_min3A_55 = arith.constant dense<0x7F800000> : vector<1024xf32>
    %reduce_min3A_56 = vector.multi_reduction <minimumf>, %select_n3A_54, %reduce_min3A_55 [0] : vector<512x1024xf32> to vector<1024xf32>
    %broadcast_in_dim3A_57 = vector.shape_cast %reduce_min3A_56 : vector<1024xf32> to vector<1x1024xf32>
    %add3A_58 = arith.constant 5.120000e+02 : f32
    %add3A_59 = vector.broadcast %add3A_58 : f32 to vector<1x1024xf32>
    %add3A_60 = arith.addf %broadcast_in_dim3A_57, %add3A_59 : vector<1x1024xf32>
    %lt3A = arith.cmpf olt, %broadcast_in_dim3A_49, %broadcast_in_dim3A : vector<1x1024xf32>
    %select_n3A_61 = arith.select %lt3A, %add3A_60, %add3A_27 : vector<1x1024xi1>, vector<1x1024xf32>
    %min3A = arith.minimumf %broadcast_in_dim3A, %broadcast_in_dim3A_49 : vector<1x1024xf32>
    %get3A_62 = arith.constant 1024 : index
    %get3A_63 = arith.constant 0 : index
    %get3A_64 = vector.load %arg4[%get3A_62, %get3A_63] : memref<8192x64xf32, #tpu.memory_space<vmem>>, vector<512x64xf32>
    %get3A_65 = arith.constant 1024 : index
    %get3A_66 = arith.constant 0 : index
    %get3A_67 = vector.load %arg5[%get3A_65, %get3A_66] : memref<8192x1xf32, #tpu.memory_space<vmem>>, vector<512x1xf32>
    %dot_general3A_68 = arith.constant dense<0.000000e+00> : vector<512x1024xf32>
    %dot_general3A_69 = tpu.matmul %get3A_64, %reshape3A, %dot_general3A_68 {dimension_numbers = #tpu.dot_dimension_numbers<[1], [0], [0], [1], [0, 0, 1, 1], [], []>, transpose_lhs_hint = false} : vector<512x64xf32>, vector<64x1024xf32>, vector<512x1024xf32> -> vector<512x1024xf32>
    %add3A_70 = vector.broadcast %get3A_5 : vector<1x1024xf32> to vector<512x1024xf32>
    %add3A_71 = vector.broadcast %get3A_67 : vector<512x1xf32> to vector<512x1024xf32>
    %add3A_72 = arith.addf %add3A_70, %add3A_71 : vector<512x1024xf32>
    %mul3A_73 = arith.constant 2.000000e+00 : f32
    %mul3A_74 = vector.broadcast %mul3A_73 : f32 to vector<512x1024xf32>
    %mul3A_75 = arith.mulf %mul3A_74, %dot_general3A_69 : vector<512x1024xf32>
    %sub3A_76 = arith.subf %add3A_72, %mul3A_75 : vector<512x1024xf32>
    %max3A_77 = arith.constant 0.000000e+00 : f32
    %max3A_78 = vector.broadcast %max3A_77 : f32 to vector<512x1024xf32>
    %max3A_79 = arith.maximumf %sub3A_76, %max3A_78 : vector<512x1024xf32>
    %sqrt3A_80 = math.sqrt %max3A_79 : vector<512x1024xf32>
    %reduce_min3A_81 = arith.constant dense<0x7F800000> : vector<1024xf32>
    %reduce_min3A_82 = vector.multi_reduction <minimumf>, %sqrt3A_80, %reduce_min3A_81 [0] : vector<512x1024xf32> to vector<1024xf32>
    %broadcast_in_dim3A_83 = vector.shape_cast %reduce_min3A_82 : vector<1024xf32> to vector<1x1024xf32>
    %eq3A_84 = vector.broadcast %broadcast_in_dim3A_83 : vector<1x1024xf32> to vector<512x1024xf32>
    %eq3A_85 = arith.cmpf oeq, %sqrt3A_80, %eq3A_84 : vector<512x1024xf32>
    %jit3A_86 = arith.constant 6.553600e+04 : f32
    %broadcast_in_dim3A_87 = vector.broadcast %jit3A_86 : f32 to vector<512x1024xf32>
    %select_n3A_88 = arith.select %eq3A_85, %convert_element_type3A, %broadcast_in_dim3A_87 : vector<512x1024xi1>, vector<512x1024xf32>
    %reduce_min3A_89 = arith.constant dense<0x7F800000> : vector<1024xf32>
    %reduce_min3A_90 = vector.multi_reduction <minimumf>, %select_n3A_88, %reduce_min3A_89 [0] : vector<512x1024xf32> to vector<1024xf32>
    %broadcast_in_dim3A_91 = vector.shape_cast %reduce_min3A_90 : vector<1024xf32> to vector<1x1024xf32>
    %add3A_92 = arith.constant 1.024000e+03 : f32
    %add3A_93 = vector.broadcast %add3A_92 : f32 to vector<1x1024xf32>
    %add3A_94 = arith.addf %broadcast_in_dim3A_91, %add3A_93 : vector<1x1024xf32>
    %lt3A_95 = arith.cmpf olt, %broadcast_in_dim3A_83, %min3A : vector<1x1024xf32>
    %select_n3A_96 = arith.select %lt3A_95, %add3A_94, %select_n3A_61 : vector<1x1024xi1>, vector<1x1024xf32>
    %min3A_97 = arith.minimumf %min3A, %broadcast_in_dim3A_83 : vector<1x1024xf32>
    %get3A_98 = arith.constant 1536 : index
    %get3A_99 = arith.constant 0 : index
    %get3A_100 = vector.load %arg4[%get3A_98, %get3A_99] : memref<8192x64xf32, #tpu.memory_space<vmem>>, vector<512x64xf32>
    %get3A_101 = arith.constant 1536 : index
    %get3A_102 = arith.constant 0 : index
    %get3A_103 = vector.load %arg5[%get3A_101, %get3A_102] : memref<8192x1xf32, #tpu.memory_space<vmem>>, vector<512x1xf32>
    %dot_general3A_104 = arith.constant dense<0.000000e+00> : vector<512x1024xf32>
    %dot_general3A_105 = tpu.matmul %get3A_100, %reshape3A, %dot_general3A_104 {dimension_numbers = #tpu.dot_dimension_numbers<[1], [0], [0], [1], [0, 0, 1, 1], [], []>, transpose_lhs_hint = false} : vector<512x64xf32>, vector<64x1024xf32>, vector<512x1024xf32> -> vector<512x1024xf32>
    %add3A_106 = vector.broadcast %get3A_5 : vector<1x1024xf32> to vector<512x1024xf32>
    %add3A_107 = vector.broadcast %get3A_103 : vector<512x1xf32> to vector<512x1024xf32>
    %add3A_108 = arith.addf %add3A_106, %add3A_107 : vector<512x1024xf32>
    %mul3A_109 = arith.constant 2.000000e+00 : f32
    %mul3A_110 = vector.broadcast %mul3A_109 : f32 to vector<512x1024xf32>
    %mul3A_111 = arith.mulf %mul3A_110, %dot_general3A_105 : vector<512x1024xf32>
    %sub3A_112 = arith.subf %add3A_108, %mul3A_111 : vector<512x1024xf32>
    %max3A_113 = arith.constant 0.000000e+00 : f32
    %max3A_114 = vector.broadcast %max3A_113 : f32 to vector<512x1024xf32>
    %max3A_115 = arith.maximumf %sub3A_112, %max3A_114 : vector<512x1024xf32>
    %sqrt3A_116 = math.sqrt %max3A_115 : vector<512x1024xf32>
    %reduce_min3A_117 = arith.constant dense<0x7F800000> : vector<1024xf32>
    %reduce_min3A_118 = vector.multi_reduction <minimumf>, %sqrt3A_116, %reduce_min3A_117 [0] : vector<512x1024xf32> to vector<1024xf32>
    %broadcast_in_dim3A_119 = vector.shape_cast %reduce_min3A_118 : vector<1024xf32> to vector<1x1024xf32>
    %eq3A_120 = vector.broadcast %broadcast_in_dim3A_119 : vector<1x1024xf32> to vector<512x1024xf32>
    %eq3A_121 = arith.cmpf oeq, %sqrt3A_116, %eq3A_120 : vector<512x1024xf32>
    %jit3A_122 = arith.constant 6.553600e+04 : f32
    %broadcast_in_dim3A_123 = vector.broadcast %jit3A_122 : f32 to vector<512x1024xf32>
    %select_n3A_124 = arith.select %eq3A_121, %convert_element_type3A, %broadcast_in_dim3A_123 : vector<512x1024xi1>, vector<512x1024xf32>
    %reduce_min3A_125 = arith.constant dense<0x7F800000> : vector<1024xf32>
    %reduce_min3A_126 = vector.multi_reduction <minimumf>, %select_n3A_124, %reduce_min3A_125 [0] : vector<512x1024xf32> to vector<1024xf32>
    %broadcast_in_dim3A_127 = vector.shape_cast %reduce_min3A_126 : vector<1024xf32> to vector<1x1024xf32>
    %add3A_128 = arith.constant 1.536000e+03 : f32
    %add3A_129 = vector.broadcast %add3A_128 : f32 to vector<1x1024xf32>
    %add3A_130 = arith.addf %broadcast_in_dim3A_127, %add3A_129 : vector<1x1024xf32>
    %lt3A_131 = arith.cmpf olt, %broadcast_in_dim3A_119, %min3A_97 : vector<1x1024xf32>
    %select_n3A_132 = arith.select %lt3A_131, %add3A_130, %select_n3A_96 : vector<1x1024xi1>, vector<1x1024xf32>
    %min3A_133 = arith.minimumf %min3A_97, %broadcast_in_dim3A_119 : vector<1x1024xf32>
    %get3A_134 = arith.constant 2048 : index
    %get3A_135 = arith.constant 0 : index
    %get3A_136 = vector.load %arg4[%get3A_134, %get3A_135] : memref<8192x64xf32, #tpu.memory_space<vmem>>, vector<512x64xf32>
    %get3A_137 = arith.constant 2048 : index
    %get3A_138 = arith.constant 0 : index
    %get3A_139 = vector.load %arg5[%get3A_137, %get3A_138] : memref<8192x1xf32, #tpu.memory_space<vmem>>, vector<512x1xf32>
    %dot_general3A_140 = arith.constant dense<0.000000e+00> : vector<512x1024xf32>
    %dot_general3A_141 = tpu.matmul %get3A_136, %reshape3A, %dot_general3A_140 {dimension_numbers = #tpu.dot_dimension_numbers<[1], [0], [0], [1], [0, 0, 1, 1], [], []>, transpose_lhs_hint = false} : vector<512x64xf32>, vector<64x1024xf32>, vector<512x1024xf32> -> vector<512x1024xf32>
    %add3A_142 = vector.broadcast %get3A_5 : vector<1x1024xf32> to vector<512x1024xf32>
    %add3A_143 = vector.broadcast %get3A_139 : vector<512x1xf32> to vector<512x1024xf32>
    %add3A_144 = arith.addf %add3A_142, %add3A_143 : vector<512x1024xf32>
    %mul3A_145 = arith.constant 2.000000e+00 : f32
    %mul3A_146 = vector.broadcast %mul3A_145 : f32 to vector<512x1024xf32>
    %mul3A_147 = arith.mulf %mul3A_146, %dot_general3A_141 : vector<512x1024xf32>
    %sub3A_148 = arith.subf %add3A_144, %mul3A_147 : vector<512x1024xf32>
    %max3A_149 = arith.constant 0.000000e+00 : f32
    %max3A_150 = vector.broadcast %max3A_149 : f32 to vector<512x1024xf32>
    %max3A_151 = arith.maximumf %sub3A_148, %max3A_150 : vector<512x1024xf32>
    %sqrt3A_152 = math.sqrt %max3A_151 : vector<512x1024xf32>
    %reduce_min3A_153 = arith.constant dense<0x7F800000> : vector<1024xf32>
    %reduce_min3A_154 = vector.multi_reduction <minimumf>, %sqrt3A_152, %reduce_min3A_153 [0] : vector<512x1024xf32> to vector<1024xf32>
    %broadcast_in_dim3A_155 = vector.shape_cast %reduce_min3A_154 : vector<1024xf32> to vector<1x1024xf32>
    %eq3A_156 = vector.broadcast %broadcast_in_dim3A_155 : vector<1x1024xf32> to vector<512x1024xf32>
    %eq3A_157 = arith.cmpf oeq, %sqrt3A_152, %eq3A_156 : vector<512x1024xf32>
    %jit3A_158 = arith.constant 6.553600e+04 : f32
    %broadcast_in_dim3A_159 = vector.broadcast %jit3A_158 : f32 to vector<512x1024xf32>
    %select_n3A_160 = arith.select %eq3A_157, %convert_element_type3A, %broadcast_in_dim3A_159 : vector<512x1024xi1>, vector<512x1024xf32>
    %reduce_min3A_161 = arith.constant dense<0x7F800000> : vector<1024xf32>
    %reduce_min3A_162 = vector.multi_reduction <minimumf>, %select_n3A_160, %reduce_min3A_161 [0] : vector<512x1024xf32> to vector<1024xf32>
    %broadcast_in_dim3A_163 = vector.shape_cast %reduce_min3A_162 : vector<1024xf32> to vector<1x1024xf32>
    %add3A_164 = arith.constant 2.048000e+03 : f32
    %add3A_165 = vector.broadcast %add3A_164 : f32 to vector<1x1024xf32>
    %add3A_166 = arith.addf %broadcast_in_dim3A_163, %add3A_165 : vector<1x1024xf32>
    %lt3A_167 = arith.cmpf olt, %broadcast_in_dim3A_155, %min3A_133 : vector<1x1024xf32>
    %select_n3A_168 = arith.select %lt3A_167, %add3A_166, %select_n3A_132 : vector<1x1024xi1>, vector<1x1024xf32>
    %min3A_169 = arith.minimumf %min3A_133, %broadcast_in_dim3A_155 : vector<1x1024xf32>
    %get3A_170 = arith.constant 2560 : index
    %get3A_171 = arith.constant 0 : index
    %get3A_172 = vector.load %arg4[%get3A_170, %get3A_171] : memref<8192x64xf32, #tpu.memory_space<vmem>>, vector<512x64xf32>
    %get3A_173 = arith.constant 2560 : index
    %get3A_174 = arith.constant 0 : index
    %get3A_175 = vector.load %arg5[%get3A_173, %get3A_174] : memref<8192x1xf32, #tpu.memory_space<vmem>>, vector<512x1xf32>
    %dot_general3A_176 = arith.constant dense<0.000000e+00> : vector<512x1024xf32>
    %dot_general3A_177 = tpu.matmul %get3A_172, %reshape3A, %dot_general3A_176 {dimension_numbers = #tpu.dot_dimension_numbers<[1], [0], [0], [1], [0, 0, 1, 1], [], []>, transpose_lhs_hint = false} : vector<512x64xf32>, vector<64x1024xf32>, vector<512x1024xf32> -> vector<512x1024xf32>
    %add3A_178 = vector.broadcast %get3A_5 : vector<1x1024xf32> to vector<512x1024xf32>
    %add3A_179 = vector.broadcast %get3A_175 : vector<512x1xf32> to vector<512x1024xf32>
    %add3A_180 = arith.addf %add3A_178, %add3A_179 : vector<512x1024xf32>
    %mul3A_181 = arith.constant 2.000000e+00 : f32
    %mul3A_182 = vector.broadcast %mul3A_181 : f32 to vector<512x1024xf32>
    %mul3A_183 = arith.mulf %mul3A_182, %dot_general3A_177 : vector<512x1024xf32>
    %sub3A_184 = arith.subf %add3A_180, %mul3A_183 : vector<512x1024xf32>
    %max3A_185 = arith.constant 0.000000e+00 : f32
    %max3A_186 = vector.broadcast %max3A_185 : f32 to vector<512x1024xf32>
    %max3A_187 = arith.maximumf %sub3A_184, %max3A_186 : vector<512x1024xf32>
    %sqrt3A_188 = math.sqrt %max3A_187 : vector<512x1024xf32>
    %reduce_min3A_189 = arith.constant dense<0x7F800000> : vector<1024xf32>
    %reduce_min3A_190 = vector.multi_reduction <minimumf>, %sqrt3A_188, %reduce_min3A_189 [0] : vector<512x1024xf32> to vector<1024xf32>
    %broadcast_in_dim3A_191 = vector.shape_cast %reduce_min3A_190 : vector<1024xf32> to vector<1x1024xf32>
    %eq3A_192 = vector.broadcast %broadcast_in_dim3A_191 : vector<1x1024xf32> to vector<512x1024xf32>
    %eq3A_193 = arith.cmpf oeq, %sqrt3A_188, %eq3A_192 : vector<512x1024xf32>
    %jit3A_194 = arith.constant 6.553600e+04 : f32
    %broadcast_in_dim3A_195 = vector.broadcast %jit3A_194 : f32 to vector<512x1024xf32>
    %select_n3A_196 = arith.select %eq3A_193, %convert_element_type3A, %broadcast_in_dim3A_195 : vector<512x1024xi1>, vector<512x1024xf32>
    %reduce_min3A_197 = arith.constant dense<0x7F800000> : vector<1024xf32>
    %reduce_min3A_198 = vector.multi_reduction <minimumf>, %select_n3A_196, %reduce_min3A_197 [0] : vector<512x1024xf32> to vector<1024xf32>
    %broadcast_in_dim3A_199 = vector.shape_cast %reduce_min3A_198 : vector<1024xf32> to vector<1x1024xf32>
    %add3A_200 = arith.constant 2.560000e+03 : f32
    %add3A_201 = vector.broadcast %add3A_200 : f32 to vector<1x1024xf32>
    %add3A_202 = arith.addf %broadcast_in_dim3A_199, %add3A_201 : vector<1x1024xf32>
    %lt3A_203 = arith.cmpf olt, %broadcast_in_dim3A_191, %min3A_169 : vector<1x1024xf32>
    %select_n3A_204 = arith.select %lt3A_203, %add3A_202, %select_n3A_168 : vector<1x1024xi1>, vector<1x1024xf32>
    %min3A_205 = arith.minimumf %min3A_169, %broadcast_in_dim3A_191 : vector<1x1024xf32>
    %get3A_206 = arith.constant 3072 : index
    %get3A_207 = arith.constant 0 : index
    %get3A_208 = vector.load %arg4[%get3A_206, %get3A_207] : memref<8192x64xf32, #tpu.memory_space<vmem>>, vector<512x64xf32>
    %get3A_209 = arith.constant 3072 : index
    %get3A_210 = arith.constant 0 : index
    %get3A_211 = vector.load %arg5[%get3A_209, %get3A_210] : memref<8192x1xf32, #tpu.memory_space<vmem>>, vector<512x1xf32>
    %dot_general3A_212 = arith.constant dense<0.000000e+00> : vector<512x1024xf32>
    %dot_general3A_213 = tpu.matmul %get3A_208, %reshape3A, %dot_general3A_212 {dimension_numbers = #tpu.dot_dimension_numbers<[1], [0], [0], [1], [0, 0, 1, 1], [], []>, transpose_lhs_hint = false} : vector<512x64xf32>, vector<64x1024xf32>, vector<512x1024xf32> -> vector<512x1024xf32>
    %add3A_214 = vector.broadcast %get3A_5 : vector<1x1024xf32> to vector<512x1024xf32>
    %add3A_215 = vector.broadcast %get3A_211 : vector<512x1xf32> to vector<512x1024xf32>
    %add3A_216 = arith.addf %add3A_214, %add3A_215 : vector<512x1024xf32>
    %mul3A_217 = arith.constant 2.000000e+00 : f32
    %mul3A_218 = vector.broadcast %mul3A_217 : f32 to vector<512x1024xf32>
    %mul3A_219 = arith.mulf %mul3A_218, %dot_general3A_213 : vector<512x1024xf32>
    %sub3A_220 = arith.subf %add3A_216, %mul3A_219 : vector<512x1024xf32>
    %max3A_221 = arith.constant 0.000000e+00 : f32
    %max3A_222 = vector.broadcast %max3A_221 : f32 to vector<512x1024xf32>
    %max3A_223 = arith.maximumf %sub3A_220, %max3A_222 : vector<512x1024xf32>
    %sqrt3A_224 = math.sqrt %max3A_223 : vector<512x1024xf32>
    %reduce_min3A_225 = arith.constant dense<0x7F800000> : vector<1024xf32>
    %reduce_min3A_226 = vector.multi_reduction <minimumf>, %sqrt3A_224, %reduce_min3A_225 [0] : vector<512x1024xf32> to vector<1024xf32>
    %broadcast_in_dim3A_227 = vector.shape_cast %reduce_min3A_226 : vector<1024xf32> to vector<1x1024xf32>
    %eq3A_228 = vector.broadcast %broadcast_in_dim3A_227 : vector<1x1024xf32> to vector<512x1024xf32>
    %eq3A_229 = arith.cmpf oeq, %sqrt3A_224, %eq3A_228 : vector<512x1024xf32>
    %jit3A_230 = arith.constant 6.553600e+04 : f32
    %broadcast_in_dim3A_231 = vector.broadcast %jit3A_230 : f32 to vector<512x1024xf32>
    %select_n3A_232 = arith.select %eq3A_229, %convert_element_type3A, %broadcast_in_dim3A_231 : vector<512x1024xi1>, vector<512x1024xf32>
    %reduce_min3A_233 = arith.constant dense<0x7F800000> : vector<1024xf32>
    %reduce_min3A_234 = vector.multi_reduction <minimumf>, %select_n3A_232, %reduce_min3A_233 [0] : vector<512x1024xf32> to vector<1024xf32>
    %broadcast_in_dim3A_235 = vector.shape_cast %reduce_min3A_234 : vector<1024xf32> to vector<1x1024xf32>
    %add3A_236 = arith.constant 3.072000e+03 : f32
    %add3A_237 = vector.broadcast %add3A_236 : f32 to vector<1x1024xf32>
    %add3A_238 = arith.addf %broadcast_in_dim3A_235, %add3A_237 : vector<1x1024xf32>
    %lt3A_239 = arith.cmpf olt, %broadcast_in_dim3A_227, %min3A_205 : vector<1x1024xf32>
    %select_n3A_240 = arith.select %lt3A_239, %add3A_238, %select_n3A_204 : vector<1x1024xi1>, vector<1x1024xf32>
    %min3A_241 = arith.minimumf %min3A_205, %broadcast_in_dim3A_227 : vector<1x1024xf32>
    %get3A_242 = arith.constant 3584 : index
    %get3A_243 = arith.constant 0 : index
    %get3A_244 = vector.load %arg4[%get3A_242, %get3A_243] : memref<8192x64xf32, #tpu.memory_space<vmem>>, vector<512x64xf32>
    %get3A_245 = arith.constant 3584 : index
    %get3A_246 = arith.constant 0 : index
    %get3A_247 = vector.load %arg5[%get3A_245, %get3A_246] : memref<8192x1xf32, #tpu.memory_space<vmem>>, vector<512x1xf32>
    %dot_general3A_248 = arith.constant dense<0.000000e+00> : vector<512x1024xf32>
    %dot_general3A_249 = tpu.matmul %get3A_244, %reshape3A, %dot_general3A_248 {dimension_numbers = #tpu.dot_dimension_numbers<[1], [0], [0], [1], [0, 0, 1, 1], [], []>, transpose_lhs_hint = false} : vector<512x64xf32>, vector<64x1024xf32>, vector<512x1024xf32> -> vector<512x1024xf32>
    %add3A_250 = vector.broadcast %get3A_5 : vector<1x1024xf32> to vector<512x1024xf32>
    %add3A_251 = vector.broadcast %get3A_247 : vector<512x1xf32> to vector<512x1024xf32>
    %add3A_252 = arith.addf %add3A_250, %add3A_251 : vector<512x1024xf32>
    %mul3A_253 = arith.constant 2.000000e+00 : f32
    %mul3A_254 = vector.broadcast %mul3A_253 : f32 to vector<512x1024xf32>
    %mul3A_255 = arith.mulf %mul3A_254, %dot_general3A_249 : vector<512x1024xf32>
    %sub3A_256 = arith.subf %add3A_252, %mul3A_255 : vector<512x1024xf32>
    %max3A_257 = arith.constant 0.000000e+00 : f32
    %max3A_258 = vector.broadcast %max3A_257 : f32 to vector<512x1024xf32>
    %max3A_259 = arith.maximumf %sub3A_256, %max3A_258 : vector<512x1024xf32>
    %sqrt3A_260 = math.sqrt %max3A_259 : vector<512x1024xf32>
    %reduce_min3A_261 = arith.constant dense<0x7F800000> : vector<1024xf32>
    %reduce_min3A_262 = vector.multi_reduction <minimumf>, %sqrt3A_260, %reduce_min3A_261 [0] : vector<512x1024xf32> to vector<1024xf32>
    %broadcast_in_dim3A_263 = vector.shape_cast %reduce_min3A_262 : vector<1024xf32> to vector<1x1024xf32>
    %eq3A_264 = vector.broadcast %broadcast_in_dim3A_263 : vector<1x1024xf32> to vector<512x1024xf32>
    %eq3A_265 = arith.cmpf oeq, %sqrt3A_260, %eq3A_264 : vector<512x1024xf32>
    %jit3A_266 = arith.constant 6.553600e+04 : f32
    %broadcast_in_dim3A_267 = vector.broadcast %jit3A_266 : f32 to vector<512x1024xf32>
    %select_n3A_268 = arith.select %eq3A_265, %convert_element_type3A, %broadcast_in_dim3A_267 : vector<512x1024xi1>, vector<512x1024xf32>
    %reduce_min3A_269 = arith.constant dense<0x7F800000> : vector<1024xf32>
    %reduce_min3A_270 = vector.multi_reduction <minimumf>, %select_n3A_268, %reduce_min3A_269 [0] : vector<512x1024xf32> to vector<1024xf32>
    %broadcast_in_dim3A_271 = vector.shape_cast %reduce_min3A_270 : vector<1024xf32> to vector<1x1024xf32>
    %add3A_272 = arith.constant 3.584000e+03 : f32
    %add3A_273 = vector.broadcast %add3A_272 : f32 to vector<1x1024xf32>
    %add3A_274 = arith.addf %broadcast_in_dim3A_271, %add3A_273 : vector<1x1024xf32>
    %lt3A_275 = arith.cmpf olt, %broadcast_in_dim3A_263, %min3A_241 : vector<1x1024xf32>
    %select_n3A_276 = arith.select %lt3A_275, %add3A_274, %select_n3A_240 : vector<1x1024xi1>, vector<1x1024xf32>
    %min3A_277 = arith.minimumf %min3A_241, %broadcast_in_dim3A_263 : vector<1x1024xf32>
    %get3A_278 = arith.constant 4096 : index
    %get3A_279 = arith.constant 0 : index
    %get3A_280 = vector.load %arg4[%get3A_278, %get3A_279] : memref<8192x64xf32, #tpu.memory_space<vmem>>, vector<512x64xf32>
    %get3A_281 = arith.constant 4096 : index
    %get3A_282 = arith.constant 0 : index
    %get3A_283 = vector.load %arg5[%get3A_281, %get3A_282] : memref<8192x1xf32, #tpu.memory_space<vmem>>, vector<512x1xf32>
    %dot_general3A_284 = arith.constant dense<0.000000e+00> : vector<512x1024xf32>
    %dot_general3A_285 = tpu.matmul %get3A_280, %reshape3A, %dot_general3A_284 {dimension_numbers = #tpu.dot_dimension_numbers<[1], [0], [0], [1], [0, 0, 1, 1], [], []>, transpose_lhs_hint = false} : vector<512x64xf32>, vector<64x1024xf32>, vector<512x1024xf32> -> vector<512x1024xf32>
    %add3A_286 = vector.broadcast %get3A_5 : vector<1x1024xf32> to vector<512x1024xf32>
    %add3A_287 = vector.broadcast %get3A_283 : vector<512x1xf32> to vector<512x1024xf32>
    %add3A_288 = arith.addf %add3A_286, %add3A_287 : vector<512x1024xf32>
    %mul3A_289 = arith.constant 2.000000e+00 : f32
    %mul3A_290 = vector.broadcast %mul3A_289 : f32 to vector<512x1024xf32>
    %mul3A_291 = arith.mulf %mul3A_290, %dot_general3A_285 : vector<512x1024xf32>
    %sub3A_292 = arith.subf %add3A_288, %mul3A_291 : vector<512x1024xf32>
    %max3A_293 = arith.constant 0.000000e+00 : f32
    %max3A_294 = vector.broadcast %max3A_293 : f32 to vector<512x1024xf32>
    %max3A_295 = arith.maximumf %sub3A_292, %max3A_294 : vector<512x1024xf32>
    %sqrt3A_296 = math.sqrt %max3A_295 : vector<512x1024xf32>
    %reduce_min3A_297 = arith.constant dense<0x7F800000> : vector<1024xf32>
    %reduce_min3A_298 = vector.multi_reduction <minimumf>, %sqrt3A_296, %reduce_min3A_297 [0] : vector<512x1024xf32> to vector<1024xf32>
    %broadcast_in_dim3A_299 = vector.shape_cast %reduce_min3A_298 : vector<1024xf32> to vector<1x1024xf32>
    %eq3A_300 = vector.broadcast %broadcast_in_dim3A_299 : vector<1x1024xf32> to vector<512x1024xf32>
    %eq3A_301 = arith.cmpf oeq, %sqrt3A_296, %eq3A_300 : vector<512x1024xf32>
    %jit3A_302 = arith.constant 6.553600e+04 : f32
    %broadcast_in_dim3A_303 = vector.broadcast %jit3A_302 : f32 to vector<512x1024xf32>
    %select_n3A_304 = arith.select %eq3A_301, %convert_element_type3A, %broadcast_in_dim3A_303 : vector<512x1024xi1>, vector<512x1024xf32>
    %reduce_min3A_305 = arith.constant dense<0x7F800000> : vector<1024xf32>
    %reduce_min3A_306 = vector.multi_reduction <minimumf>, %select_n3A_304, %reduce_min3A_305 [0] : vector<512x1024xf32> to vector<1024xf32>
    %broadcast_in_dim3A_307 = vector.shape_cast %reduce_min3A_306 : vector<1024xf32> to vector<1x1024xf32>
    %add3A_308 = arith.constant 4.096000e+03 : f32
    %add3A_309 = vector.broadcast %add3A_308 : f32 to vector<1x1024xf32>
    %add3A_310 = arith.addf %broadcast_in_dim3A_307, %add3A_309 : vector<1x1024xf32>
    %lt3A_311 = arith.cmpf olt, %broadcast_in_dim3A_299, %min3A_277 : vector<1x1024xf32>
    %select_n3A_312 = arith.select %lt3A_311, %add3A_310, %select_n3A_276 : vector<1x1024xi1>, vector<1x1024xf32>
    %min3A_313 = arith.minimumf %min3A_277, %broadcast_in_dim3A_299 : vector<1x1024xf32>
    %get3A_314 = arith.constant 4608 : index
    %get3A_315 = arith.constant 0 : index
    %get3A_316 = vector.load %arg4[%get3A_314, %get3A_315] : memref<8192x64xf32, #tpu.memory_space<vmem>>, vector<512x64xf32>
    %get3A_317 = arith.constant 4608 : index
    %get3A_318 = arith.constant 0 : index
    %get3A_319 = vector.load %arg5[%get3A_317, %get3A_318] : memref<8192x1xf32, #tpu.memory_space<vmem>>, vector<512x1xf32>
    %dot_general3A_320 = arith.constant dense<0.000000e+00> : vector<512x1024xf32>
    %dot_general3A_321 = tpu.matmul %get3A_316, %reshape3A, %dot_general3A_320 {dimension_numbers = #tpu.dot_dimension_numbers<[1], [0], [0], [1], [0, 0, 1, 1], [], []>, transpose_lhs_hint = false} : vector<512x64xf32>, vector<64x1024xf32>, vector<512x1024xf32> -> vector<512x1024xf32>
    %add3A_322 = vector.broadcast %get3A_5 : vector<1x1024xf32> to vector<512x1024xf32>
    %add3A_323 = vector.broadcast %get3A_319 : vector<512x1xf32> to vector<512x1024xf32>
    %add3A_324 = arith.addf %add3A_322, %add3A_323 : vector<512x1024xf32>
    %mul3A_325 = arith.constant 2.000000e+00 : f32
    %mul3A_326 = vector.broadcast %mul3A_325 : f32 to vector<512x1024xf32>
    %mul3A_327 = arith.mulf %mul3A_326, %dot_general3A_321 : vector<512x1024xf32>
    %sub3A_328 = arith.subf %add3A_324, %mul3A_327 : vector<512x1024xf32>
    %max3A_329 = arith.constant 0.000000e+00 : f32
    %max3A_330 = vector.broadcast %max3A_329 : f32 to vector<512x1024xf32>
    %max3A_331 = arith.maximumf %sub3A_328, %max3A_330 : vector<512x1024xf32>
    %sqrt3A_332 = math.sqrt %max3A_331 : vector<512x1024xf32>
    %reduce_min3A_333 = arith.constant dense<0x7F800000> : vector<1024xf32>
    %reduce_min3A_334 = vector.multi_reduction <minimumf>, %sqrt3A_332, %reduce_min3A_333 [0] : vector<512x1024xf32> to vector<1024xf32>
    %broadcast_in_dim3A_335 = vector.shape_cast %reduce_min3A_334 : vector<1024xf32> to vector<1x1024xf32>
    %eq3A_336 = vector.broadcast %broadcast_in_dim3A_335 : vector<1x1024xf32> to vector<512x1024xf32>
    %eq3A_337 = arith.cmpf oeq, %sqrt3A_332, %eq3A_336 : vector<512x1024xf32>
    %jit3A_338 = arith.constant 6.553600e+04 : f32
    %broadcast_in_dim3A_339 = vector.broadcast %jit3A_338 : f32 to vector<512x1024xf32>
    %select_n3A_340 = arith.select %eq3A_337, %convert_element_type3A, %broadcast_in_dim3A_339 : vector<512x1024xi1>, vector<512x1024xf32>
    %reduce_min3A_341 = arith.constant dense<0x7F800000> : vector<1024xf32>
    %reduce_min3A_342 = vector.multi_reduction <minimumf>, %select_n3A_340, %reduce_min3A_341 [0] : vector<512x1024xf32> to vector<1024xf32>
    %broadcast_in_dim3A_343 = vector.shape_cast %reduce_min3A_342 : vector<1024xf32> to vector<1x1024xf32>
    %add3A_344 = arith.constant 4.608000e+03 : f32
    %add3A_345 = vector.broadcast %add3A_344 : f32 to vector<1x1024xf32>
    %add3A_346 = arith.addf %broadcast_in_dim3A_343, %add3A_345 : vector<1x1024xf32>
    %lt3A_347 = arith.cmpf olt, %broadcast_in_dim3A_335, %min3A_313 : vector<1x1024xf32>
    %select_n3A_348 = arith.select %lt3A_347, %add3A_346, %select_n3A_312 : vector<1x1024xi1>, vector<1x1024xf32>
    %min3A_349 = arith.minimumf %min3A_313, %broadcast_in_dim3A_335 : vector<1x1024xf32>
    %get3A_350 = arith.constant 5120 : index
    %get3A_351 = arith.constant 0 : index
    %get3A_352 = vector.load %arg4[%get3A_350, %get3A_351] : memref<8192x64xf32, #tpu.memory_space<vmem>>, vector<512x64xf32>
    %get3A_353 = arith.constant 5120 : index
    %get3A_354 = arith.constant 0 : index
    %get3A_355 = vector.load %arg5[%get3A_353, %get3A_354] : memref<8192x1xf32, #tpu.memory_space<vmem>>, vector<512x1xf32>
    %dot_general3A_356 = arith.constant dense<0.000000e+00> : vector<512x1024xf32>
    %dot_general3A_357 = tpu.matmul %get3A_352, %reshape3A, %dot_general3A_356 {dimension_numbers = #tpu.dot_dimension_numbers<[1], [0], [0], [1], [0, 0, 1, 1], [], []>, transpose_lhs_hint = false} : vector<512x64xf32>, vector<64x1024xf32>, vector<512x1024xf32> -> vector<512x1024xf32>
    %add3A_358 = vector.broadcast %get3A_5 : vector<1x1024xf32> to vector<512x1024xf32>
    %add3A_359 = vector.broadcast %get3A_355 : vector<512x1xf32> to vector<512x1024xf32>
    %add3A_360 = arith.addf %add3A_358, %add3A_359 : vector<512x1024xf32>
    %mul3A_361 = arith.constant 2.000000e+00 : f32
    %mul3A_362 = vector.broadcast %mul3A_361 : f32 to vector<512x1024xf32>
    %mul3A_363 = arith.mulf %mul3A_362, %dot_general3A_357 : vector<512x1024xf32>
    %sub3A_364 = arith.subf %add3A_360, %mul3A_363 : vector<512x1024xf32>
    %max3A_365 = arith.constant 0.000000e+00 : f32
    %max3A_366 = vector.broadcast %max3A_365 : f32 to vector<512x1024xf32>
    %max3A_367 = arith.maximumf %sub3A_364, %max3A_366 : vector<512x1024xf32>
    %sqrt3A_368 = math.sqrt %max3A_367 : vector<512x1024xf32>
    %reduce_min3A_369 = arith.constant dense<0x7F800000> : vector<1024xf32>
    %reduce_min3A_370 = vector.multi_reduction <minimumf>, %sqrt3A_368, %reduce_min3A_369 [0] : vector<512x1024xf32> to vector<1024xf32>
    %broadcast_in_dim3A_371 = vector.shape_cast %reduce_min3A_370 : vector<1024xf32> to vector<1x1024xf32>
    %eq3A_372 = vector.broadcast %broadcast_in_dim3A_371 : vector<1x1024xf32> to vector<512x1024xf32>
    %eq3A_373 = arith.cmpf oeq, %sqrt3A_368, %eq3A_372 : vector<512x1024xf32>
    %jit3A_374 = arith.constant 6.553600e+04 : f32
    %broadcast_in_dim3A_375 = vector.broadcast %jit3A_374 : f32 to vector<512x1024xf32>
    %select_n3A_376 = arith.select %eq3A_373, %convert_element_type3A, %broadcast_in_dim3A_375 : vector<512x1024xi1>, vector<512x1024xf32>
    %reduce_min3A_377 = arith.constant dense<0x7F800000> : vector<1024xf32>
    %reduce_min3A_378 = vector.multi_reduction <minimumf>, %select_n3A_376, %reduce_min3A_377 [0] : vector<512x1024xf32> to vector<1024xf32>
    %broadcast_in_dim3A_379 = vector.shape_cast %reduce_min3A_378 : vector<1024xf32> to vector<1x1024xf32>
    %add3A_380 = arith.constant 5.120000e+03 : f32
    %add3A_381 = vector.broadcast %add3A_380 : f32 to vector<1x1024xf32>
    %add3A_382 = arith.addf %broadcast_in_dim3A_379, %add3A_381 : vector<1x1024xf32>
    %lt3A_383 = arith.cmpf olt, %broadcast_in_dim3A_371, %min3A_349 : vector<1x1024xf32>
    %select_n3A_384 = arith.select %lt3A_383, %add3A_382, %select_n3A_348 : vector<1x1024xi1>, vector<1x1024xf32>
    %min3A_385 = arith.minimumf %min3A_349, %broadcast_in_dim3A_371 : vector<1x1024xf32>
    %get3A_386 = arith.constant 5632 : index
    %get3A_387 = arith.constant 0 : index
    %get3A_388 = vector.load %arg4[%get3A_386, %get3A_387] : memref<8192x64xf32, #tpu.memory_space<vmem>>, vector<512x64xf32>
    %get3A_389 = arith.constant 5632 : index
    %get3A_390 = arith.constant 0 : index
    %get3A_391 = vector.load %arg5[%get3A_389, %get3A_390] : memref<8192x1xf32, #tpu.memory_space<vmem>>, vector<512x1xf32>
    %dot_general3A_392 = arith.constant dense<0.000000e+00> : vector<512x1024xf32>
    %dot_general3A_393 = tpu.matmul %get3A_388, %reshape3A, %dot_general3A_392 {dimension_numbers = #tpu.dot_dimension_numbers<[1], [0], [0], [1], [0, 0, 1, 1], [], []>, transpose_lhs_hint = false} : vector<512x64xf32>, vector<64x1024xf32>, vector<512x1024xf32> -> vector<512x1024xf32>
    %add3A_394 = vector.broadcast %get3A_5 : vector<1x1024xf32> to vector<512x1024xf32>
    %add3A_395 = vector.broadcast %get3A_391 : vector<512x1xf32> to vector<512x1024xf32>
    %add3A_396 = arith.addf %add3A_394, %add3A_395 : vector<512x1024xf32>
    %mul3A_397 = arith.constant 2.000000e+00 : f32
    %mul3A_398 = vector.broadcast %mul3A_397 : f32 to vector<512x1024xf32>
    %mul3A_399 = arith.mulf %mul3A_398, %dot_general3A_393 : vector<512x1024xf32>
    %sub3A_400 = arith.subf %add3A_396, %mul3A_399 : vector<512x1024xf32>
    %max3A_401 = arith.constant 0.000000e+00 : f32
    %max3A_402 = vector.broadcast %max3A_401 : f32 to vector<512x1024xf32>
    %max3A_403 = arith.maximumf %sub3A_400, %max3A_402 : vector<512x1024xf32>
    %sqrt3A_404 = math.sqrt %max3A_403 : vector<512x1024xf32>
    %reduce_min3A_405 = arith.constant dense<0x7F800000> : vector<1024xf32>
    %reduce_min3A_406 = vector.multi_reduction <minimumf>, %sqrt3A_404, %reduce_min3A_405 [0] : vector<512x1024xf32> to vector<1024xf32>
    %broadcast_in_dim3A_407 = vector.shape_cast %reduce_min3A_406 : vector<1024xf32> to vector<1x1024xf32>
    %eq3A_408 = vector.broadcast %broadcast_in_dim3A_407 : vector<1x1024xf32> to vector<512x1024xf32>
    %eq3A_409 = arith.cmpf oeq, %sqrt3A_404, %eq3A_408 : vector<512x1024xf32>
    %jit3A_410 = arith.constant 6.553600e+04 : f32
    %broadcast_in_dim3A_411 = vector.broadcast %jit3A_410 : f32 to vector<512x1024xf32>
    %select_n3A_412 = arith.select %eq3A_409, %convert_element_type3A, %broadcast_in_dim3A_411 : vector<512x1024xi1>, vector<512x1024xf32>
    %reduce_min3A_413 = arith.constant dense<0x7F800000> : vector<1024xf32>
    %reduce_min3A_414 = vector.multi_reduction <minimumf>, %select_n3A_412, %reduce_min3A_413 [0] : vector<512x1024xf32> to vector<1024xf32>
    %broadcast_in_dim3A_415 = vector.shape_cast %reduce_min3A_414 : vector<1024xf32> to vector<1x1024xf32>
    %add3A_416 = arith.constant 5.632000e+03 : f32
    %add3A_417 = vector.broadcast %add3A_416 : f32 to vector<1x1024xf32>
    %add3A_418 = arith.addf %broadcast_in_dim3A_415, %add3A_417 : vector<1x1024xf32>
    %lt3A_419 = arith.cmpf olt, %broadcast_in_dim3A_407, %min3A_385 : vector<1x1024xf32>
    %select_n3A_420 = arith.select %lt3A_419, %add3A_418, %select_n3A_384 : vector<1x1024xi1>, vector<1x1024xf32>
    %min3A_421 = arith.minimumf %min3A_385, %broadcast_in_dim3A_407 : vector<1x1024xf32>
    %get3A_422 = arith.constant 6144 : index
    %get3A_423 = arith.constant 0 : index
    %get3A_424 = vector.load %arg4[%get3A_422, %get3A_423] : memref<8192x64xf32, #tpu.memory_space<vmem>>, vector<512x64xf32>
    %get3A_425 = arith.constant 6144 : index
    %get3A_426 = arith.constant 0 : index
    %get3A_427 = vector.load %arg5[%get3A_425, %get3A_426] : memref<8192x1xf32, #tpu.memory_space<vmem>>, vector<512x1xf32>
    %dot_general3A_428 = arith.constant dense<0.000000e+00> : vector<512x1024xf32>
    %dot_general3A_429 = tpu.matmul %get3A_424, %reshape3A, %dot_general3A_428 {dimension_numbers = #tpu.dot_dimension_numbers<[1], [0], [0], [1], [0, 0, 1, 1], [], []>, transpose_lhs_hint = false} : vector<512x64xf32>, vector<64x1024xf32>, vector<512x1024xf32> -> vector<512x1024xf32>
    %add3A_430 = vector.broadcast %get3A_5 : vector<1x1024xf32> to vector<512x1024xf32>
    %add3A_431 = vector.broadcast %get3A_427 : vector<512x1xf32> to vector<512x1024xf32>
    %add3A_432 = arith.addf %add3A_430, %add3A_431 : vector<512x1024xf32>
    %mul3A_433 = arith.constant 2.000000e+00 : f32
    %mul3A_434 = vector.broadcast %mul3A_433 : f32 to vector<512x1024xf32>
    %mul3A_435 = arith.mulf %mul3A_434, %dot_general3A_429 : vector<512x1024xf32>
    %sub3A_436 = arith.subf %add3A_432, %mul3A_435 : vector<512x1024xf32>
    %max3A_437 = arith.constant 0.000000e+00 : f32
    %max3A_438 = vector.broadcast %max3A_437 : f32 to vector<512x1024xf32>
    %max3A_439 = arith.maximumf %sub3A_436, %max3A_438 : vector<512x1024xf32>
    %sqrt3A_440 = math.sqrt %max3A_439 : vector<512x1024xf32>
    %reduce_min3A_441 = arith.constant dense<0x7F800000> : vector<1024xf32>
    %reduce_min3A_442 = vector.multi_reduction <minimumf>, %sqrt3A_440, %reduce_min3A_441 [0] : vector<512x1024xf32> to vector<1024xf32>
    %broadcast_in_dim3A_443 = vector.shape_cast %reduce_min3A_442 : vector<1024xf32> to vector<1x1024xf32>
    %eq3A_444 = vector.broadcast %broadcast_in_dim3A_443 : vector<1x1024xf32> to vector<512x1024xf32>
    %eq3A_445 = arith.cmpf oeq, %sqrt3A_440, %eq3A_444 : vector<512x1024xf32>
    %jit3A_446 = arith.constant 6.553600e+04 : f32
    %broadcast_in_dim3A_447 = vector.broadcast %jit3A_446 : f32 to vector<512x1024xf32>
    %select_n3A_448 = arith.select %eq3A_445, %convert_element_type3A, %broadcast_in_dim3A_447 : vector<512x1024xi1>, vector<512x1024xf32>
    %reduce_min3A_449 = arith.constant dense<0x7F800000> : vector<1024xf32>
    %reduce_min3A_450 = vector.multi_reduction <minimumf>, %select_n3A_448, %reduce_min3A_449 [0] : vector<512x1024xf32> to vector<1024xf32>
    %broadcast_in_dim3A_451 = vector.shape_cast %reduce_min3A_450 : vector<1024xf32> to vector<1x1024xf32>
    %add3A_452 = arith.constant 6.144000e+03 : f32
    %add3A_453 = vector.broadcast %add3A_452 : f32 to vector<1x1024xf32>
    %add3A_454 = arith.addf %broadcast_in_dim3A_451, %add3A_453 : vector<1x1024xf32>
    %lt3A_455 = arith.cmpf olt, %broadcast_in_dim3A_443, %min3A_421 : vector<1x1024xf32>
    %select_n3A_456 = arith.select %lt3A_455, %add3A_454, %select_n3A_420 : vector<1x1024xi1>, vector<1x1024xf32>
    %min3A_457 = arith.minimumf %min3A_421, %broadcast_in_dim3A_443 : vector<1x1024xf32>
    %get3A_458 = arith.constant 6656 : index
    %get3A_459 = arith.constant 0 : index
    %get3A_460 = vector.load %arg4[%get3A_458, %get3A_459] : memref<8192x64xf32, #tpu.memory_space<vmem>>, vector<512x64xf32>
    %get3A_461 = arith.constant 6656 : index
    %get3A_462 = arith.constant 0 : index
    %get3A_463 = vector.load %arg5[%get3A_461, %get3A_462] : memref<8192x1xf32, #tpu.memory_space<vmem>>, vector<512x1xf32>
    %dot_general3A_464 = arith.constant dense<0.000000e+00> : vector<512x1024xf32>
    %dot_general3A_465 = tpu.matmul %get3A_460, %reshape3A, %dot_general3A_464 {dimension_numbers = #tpu.dot_dimension_numbers<[1], [0], [0], [1], [0, 0, 1, 1], [], []>, transpose_lhs_hint = false} : vector<512x64xf32>, vector<64x1024xf32>, vector<512x1024xf32> -> vector<512x1024xf32>
    %add3A_466 = vector.broadcast %get3A_5 : vector<1x1024xf32> to vector<512x1024xf32>
    %add3A_467 = vector.broadcast %get3A_463 : vector<512x1xf32> to vector<512x1024xf32>
    %add3A_468 = arith.addf %add3A_466, %add3A_467 : vector<512x1024xf32>
    %mul3A_469 = arith.constant 2.000000e+00 : f32
    %mul3A_470 = vector.broadcast %mul3A_469 : f32 to vector<512x1024xf32>
    %mul3A_471 = arith.mulf %mul3A_470, %dot_general3A_465 : vector<512x1024xf32>
    %sub3A_472 = arith.subf %add3A_468, %mul3A_471 : vector<512x1024xf32>
    %max3A_473 = arith.constant 0.000000e+00 : f32
    %max3A_474 = vector.broadcast %max3A_473 : f32 to vector<512x1024xf32>
    %max3A_475 = arith.maximumf %sub3A_472, %max3A_474 : vector<512x1024xf32>
    %sqrt3A_476 = math.sqrt %max3A_475 : vector<512x1024xf32>
    %reduce_min3A_477 = arith.constant dense<0x7F800000> : vector<1024xf32>
    %reduce_min3A_478 = vector.multi_reduction <minimumf>, %sqrt3A_476, %reduce_min3A_477 [0] : vector<512x1024xf32> to vector<1024xf32>
    %broadcast_in_dim3A_479 = vector.shape_cast %reduce_min3A_478 : vector<1024xf32> to vector<1x1024xf32>
    %eq3A_480 = vector.broadcast %broadcast_in_dim3A_479 : vector<1x1024xf32> to vector<512x1024xf32>
    %eq3A_481 = arith.cmpf oeq, %sqrt3A_476, %eq3A_480 : vector<512x1024xf32>
    %jit3A_482 = arith.constant 6.553600e+04 : f32
    %broadcast_in_dim3A_483 = vector.broadcast %jit3A_482 : f32 to vector<512x1024xf32>
    %select_n3A_484 = arith.select %eq3A_481, %convert_element_type3A, %broadcast_in_dim3A_483 : vector<512x1024xi1>, vector<512x1024xf32>
    %reduce_min3A_485 = arith.constant dense<0x7F800000> : vector<1024xf32>
    %reduce_min3A_486 = vector.multi_reduction <minimumf>, %select_n3A_484, %reduce_min3A_485 [0] : vector<512x1024xf32> to vector<1024xf32>
    %broadcast_in_dim3A_487 = vector.shape_cast %reduce_min3A_486 : vector<1024xf32> to vector<1x1024xf32>
    %add3A_488 = arith.constant 6.656000e+03 : f32
    %add3A_489 = vector.broadcast %add3A_488 : f32 to vector<1x1024xf32>
    %add3A_490 = arith.addf %broadcast_in_dim3A_487, %add3A_489 : vector<1x1024xf32>
    %lt3A_491 = arith.cmpf olt, %broadcast_in_dim3A_479, %min3A_457 : vector<1x1024xf32>
    %select_n3A_492 = arith.select %lt3A_491, %add3A_490, %select_n3A_456 : vector<1x1024xi1>, vector<1x1024xf32>
    %min3A_493 = arith.minimumf %min3A_457, %broadcast_in_dim3A_479 : vector<1x1024xf32>
    %get3A_494 = arith.constant 7168 : index
    %get3A_495 = arith.constant 0 : index
    %get3A_496 = vector.load %arg4[%get3A_494, %get3A_495] : memref<8192x64xf32, #tpu.memory_space<vmem>>, vector<512x64xf32>
    %get3A_497 = arith.constant 7168 : index
    %get3A_498 = arith.constant 0 : index
    %get3A_499 = vector.load %arg5[%get3A_497, %get3A_498] : memref<8192x1xf32, #tpu.memory_space<vmem>>, vector<512x1xf32>
    %dot_general3A_500 = arith.constant dense<0.000000e+00> : vector<512x1024xf32>
    %dot_general3A_501 = tpu.matmul %get3A_496, %reshape3A, %dot_general3A_500 {dimension_numbers = #tpu.dot_dimension_numbers<[1], [0], [0], [1], [0, 0, 1, 1], [], []>, transpose_lhs_hint = false} : vector<512x64xf32>, vector<64x1024xf32>, vector<512x1024xf32> -> vector<512x1024xf32>
    %add3A_502 = vector.broadcast %get3A_5 : vector<1x1024xf32> to vector<512x1024xf32>
    %add3A_503 = vector.broadcast %get3A_499 : vector<512x1xf32> to vector<512x1024xf32>
    %add3A_504 = arith.addf %add3A_502, %add3A_503 : vector<512x1024xf32>
    %mul3A_505 = arith.constant 2.000000e+00 : f32
    %mul3A_506 = vector.broadcast %mul3A_505 : f32 to vector<512x1024xf32>
    %mul3A_507 = arith.mulf %mul3A_506, %dot_general3A_501 : vector<512x1024xf32>
    %sub3A_508 = arith.subf %add3A_504, %mul3A_507 : vector<512x1024xf32>
    %max3A_509 = arith.constant 0.000000e+00 : f32
    %max3A_510 = vector.broadcast %max3A_509 : f32 to vector<512x1024xf32>
    %max3A_511 = arith.maximumf %sub3A_508, %max3A_510 : vector<512x1024xf32>
    %sqrt3A_512 = math.sqrt %max3A_511 : vector<512x1024xf32>
    %reduce_min3A_513 = arith.constant dense<0x7F800000> : vector<1024xf32>
    %reduce_min3A_514 = vector.multi_reduction <minimumf>, %sqrt3A_512, %reduce_min3A_513 [0] : vector<512x1024xf32> to vector<1024xf32>
    %broadcast_in_dim3A_515 = vector.shape_cast %reduce_min3A_514 : vector<1024xf32> to vector<1x1024xf32>
    %eq3A_516 = vector.broadcast %broadcast_in_dim3A_515 : vector<1x1024xf32> to vector<512x1024xf32>
    %eq3A_517 = arith.cmpf oeq, %sqrt3A_512, %eq3A_516 : vector<512x1024xf32>
    %jit3A_518 = arith.constant 6.553600e+04 : f32
    %broadcast_in_dim3A_519 = vector.broadcast %jit3A_518 : f32 to vector<512x1024xf32>
    %select_n3A_520 = arith.select %eq3A_517, %convert_element_type3A, %broadcast_in_dim3A_519 : vector<512x1024xi1>, vector<512x1024xf32>
    %reduce_min3A_521 = arith.constant dense<0x7F800000> : vector<1024xf32>
    %reduce_min3A_522 = vector.multi_reduction <minimumf>, %select_n3A_520, %reduce_min3A_521 [0] : vector<512x1024xf32> to vector<1024xf32>
    %broadcast_in_dim3A_523 = vector.shape_cast %reduce_min3A_522 : vector<1024xf32> to vector<1x1024xf32>
    %add3A_524 = arith.constant 7.168000e+03 : f32
    %add3A_525 = vector.broadcast %add3A_524 : f32 to vector<1x1024xf32>
    %add3A_526 = arith.addf %broadcast_in_dim3A_523, %add3A_525 : vector<1x1024xf32>
    %lt3A_527 = arith.cmpf olt, %broadcast_in_dim3A_515, %min3A_493 : vector<1x1024xf32>
    %select_n3A_528 = arith.select %lt3A_527, %add3A_526, %select_n3A_492 : vector<1x1024xi1>, vector<1x1024xf32>
    %min3A_529 = arith.minimumf %min3A_493, %broadcast_in_dim3A_515 : vector<1x1024xf32>
    %get3A_530 = arith.constant 7680 : index
    %get3A_531 = arith.constant 0 : index
    %get3A_532 = vector.load %arg4[%get3A_530, %get3A_531] : memref<8192x64xf32, #tpu.memory_space<vmem>>, vector<512x64xf32>
    %get3A_533 = arith.constant 7680 : index
    %get3A_534 = arith.constant 0 : index
    %get3A_535 = vector.load %arg5[%get3A_533, %get3A_534] : memref<8192x1xf32, #tpu.memory_space<vmem>>, vector<512x1xf32>
    %dot_general3A_536 = arith.constant dense<0.000000e+00> : vector<512x1024xf32>
    %dot_general3A_537 = tpu.matmul %get3A_532, %reshape3A, %dot_general3A_536 {dimension_numbers = #tpu.dot_dimension_numbers<[1], [0], [0], [1], [0, 0, 1, 1], [], []>, transpose_lhs_hint = false} : vector<512x64xf32>, vector<64x1024xf32>, vector<512x1024xf32> -> vector<512x1024xf32>
    %add3A_538 = vector.broadcast %get3A_5 : vector<1x1024xf32> to vector<512x1024xf32>
    %add3A_539 = vector.broadcast %get3A_535 : vector<512x1xf32> to vector<512x1024xf32>
    %add3A_540 = arith.addf %add3A_538, %add3A_539 : vector<512x1024xf32>
    %mul3A_541 = arith.constant 2.000000e+00 : f32
    %mul3A_542 = vector.broadcast %mul3A_541 : f32 to vector<512x1024xf32>
    %mul3A_543 = arith.mulf %mul3A_542, %dot_general3A_537 : vector<512x1024xf32>
    %sub3A_544 = arith.subf %add3A_540, %mul3A_543 : vector<512x1024xf32>
    %max3A_545 = arith.constant 0.000000e+00 : f32
    %max3A_546 = vector.broadcast %max3A_545 : f32 to vector<512x1024xf32>
    %max3A_547 = arith.maximumf %sub3A_544, %max3A_546 : vector<512x1024xf32>
    %sqrt3A_548 = math.sqrt %max3A_547 : vector<512x1024xf32>
    %reduce_min3A_549 = arith.constant dense<0x7F800000> : vector<1024xf32>
    %reduce_min3A_550 = vector.multi_reduction <minimumf>, %sqrt3A_548, %reduce_min3A_549 [0] : vector<512x1024xf32> to vector<1024xf32>
    %broadcast_in_dim3A_551 = vector.shape_cast %reduce_min3A_550 : vector<1024xf32> to vector<1x1024xf32>
    %eq3A_552 = vector.broadcast %broadcast_in_dim3A_551 : vector<1x1024xf32> to vector<512x1024xf32>
    %eq3A_553 = arith.cmpf oeq, %sqrt3A_548, %eq3A_552 : vector<512x1024xf32>
    %jit3A_554 = arith.constant 6.553600e+04 : f32
    %broadcast_in_dim3A_555 = vector.broadcast %jit3A_554 : f32 to vector<512x1024xf32>
    %select_n3A_556 = arith.select %eq3A_553, %convert_element_type3A, %broadcast_in_dim3A_555 : vector<512x1024xi1>, vector<512x1024xf32>
    %reduce_min3A_557 = arith.constant dense<0x7F800000> : vector<1024xf32>
    %reduce_min3A_558 = vector.multi_reduction <minimumf>, %select_n3A_556, %reduce_min3A_557 [0] : vector<512x1024xf32> to vector<1024xf32>
    %broadcast_in_dim3A_559 = vector.shape_cast %reduce_min3A_558 : vector<1024xf32> to vector<1x1024xf32>
    %add3A_560 = arith.constant 7.680000e+03 : f32
    %add3A_561 = vector.broadcast %add3A_560 : f32 to vector<1x1024xf32>
    %add3A_562 = arith.addf %broadcast_in_dim3A_559, %add3A_561 : vector<1x1024xf32>
    %lt3A_563 = arith.cmpf olt, %broadcast_in_dim3A_551, %min3A_529 : vector<1x1024xf32>
    %select_n3A_564 = arith.select %lt3A_563, %add3A_562, %select_n3A_528 : vector<1x1024xi1>, vector<1x1024xf32>
    %min3A_565 = arith.minimumf %min3A_529, %broadcast_in_dim3A_551 : vector<1x1024xf32>
    %convert_element_type3A_566 = arith.fptosi %select_n3A_564 : vector<1x1024xf32> to vector<1x1024xi32>
    %swap3A = arith.index_cast %arg1 : i32 to index
    %swap3A_567 = arith.constant 0 : index
    %swap3A_568 = vector.load %arg6[%swap3A, %swap3A_567] : memref<8x1024xi32, #tpu.memory_space<vmem>>, vector<1x1024xi32>
    tpu.vector_store %arg6[%swap3A, %swap3A_567], %convert_element_type3A_566 {strides = array<i32>} : memref<8x1024xi32, #tpu.memory_space<vmem>>, vector<1x1024xi32>,
    %mul3A_569 = arith.mulf %min3A_565, %min3A_565 : vector<1x1024xf32>
    %swap3A_570 = arith.index_cast %arg1 : i32 to index
    %swap3A_571 = arith.constant 0 : index
    %swap3A_572 = vector.load %arg7[%swap3A_570, %swap3A_571] : memref<8x1024xf32, #tpu.memory_space<vmem>>, vector<1x1024xf32>
    tpu.vector_store %arg7[%swap3A_570, %swap3A_571], %mul3A_569 {strides = array<i32>} : memref<8x1024xf32, #tpu.memory_space<vmem>>, vector<1x1024xf32>,
    return
  }
  func.func @transform_0(%arg0: i32, %arg1: i32) -> (i32, i32, i32) {
    %mul3A = arith.constant 8 : i32
    %mul3A_0 = arith.muli %mul3A, %arg0 : i32
    %add3A = arith.addi %mul3A_0, %arg1 : i32
    %jit3A = arith.constant 1 : i32
    %div3A = arith.divsi %add3A, %jit3A : i32
    %sign3A = arith.constant 0 : i32
    %sign3A_1 = arith.cmpi sgt, %add3A, %sign3A : i32
    %sign3A_2 = arith.extui %sign3A_1 : i1 to i32
    %sign3A_3 = arith.constant 0 : i32
    %sign3A_4 = arith.cmpi slt, %add3A, %sign3A_3 : i32
    %sign3A_5 = arith.extui %sign3A_4 : i1 to i32
    %sign3A_6 = arith.subi %sign3A_2, %sign3A_5 : i32
    %sign3A_7 = arith.constant 0 : i32
    %sign3A_8 = arith.cmpi sgt, %jit3A, %sign3A_7 : i32
    %sign3A_9 = arith.extui %sign3A_8 : i1 to i32
    %sign3A_10 = arith.constant 0 : i32
    %sign3A_11 = arith.cmpi slt, %jit3A, %sign3A_10 : i32
    %sign3A_12 = arith.extui %sign3A_11 : i1 to i32
    %sign3A_13 = arith.subi %sign3A_9, %sign3A_12 : i32
    %ne3A = arith.cmpi ne, %sign3A_6, %sign3A_13 : i32
    %rem3A = arith.remsi %add3A, %jit3A : i32
    %ne3A_14 = arith.constant 0 : i32
    %ne3A_15 = arith.cmpi ne, %rem3A, %ne3A_14 : i32
    %and3A = arith.andi %ne3A, %ne3A_15 : i1
    %sub3A = arith.constant 1 : i32
    %sub3A_16 = arith.subi %div3A, %sub3A : i32
    %select_n3A = arith.select %and3A, %sub3A_16, %div3A : i32
    %mul3A_17 = arith.constant 8 : i32
    %mul3A_18 = arith.muli %mul3A_17, %arg0 : i32
    %add3A_19 = arith.addi %mul3A_18, %arg1 : i32
    %jit3A_20 = arith.constant 1 : i32
    %eq3A = arith.constant 0 : i32
    %eq3A_21 = arith.cmpi eq, %jit3A_20, %eq3A : i32
    %jit3A_22 = arith.constant 1 : i32
    %select_n3A_23 = arith.select %eq3A_21, %jit3A_22, %jit3A_20 : i32
    %rem3A_24 = arith.remsi %add3A_19, %select_n3A_23 : i32
    %ne3A_25 = arith.constant 0 : i32
    %ne3A_26 = arith.cmpi ne, %rem3A_24, %ne3A_25 : i32
    %lt3A = arith.constant 0 : i32
    %lt3A_27 = arith.cmpi slt, %rem3A_24, %lt3A : i32
    %lt3A_28 = arith.constant 0 : i32
    %lt3A_29 = arith.cmpi slt, %select_n3A_23, %lt3A_28 : i32
    %ne3A_30 = arith.xori %lt3A_27, %lt3A_29 : i1
    %and3A_31 = arith.andi %ne3A_30, %ne3A_26 : i1
    %add3A_32 = arith.addi %rem3A_24, %select_n3A_23 : i32
    %select_n3A_33 = arith.select %and3A_31, %add3A_32, %rem3A_24 : i32
    %c0_i32 = arith.constant 0 : i32
    %c0_i32_34 = arith.constant 0 : i32
    return %select_n3A, %c0_i32, %select_n3A_33 : i32, i32, i32
  }
  func.func @transform_1(%arg0: i32, %arg1: i32) -> (i32, i32) {
    %mul3A = arith.constant 8 : i32
    %mul3A_0 = arith.muli %mul3A, %arg0 : i32
    %add3A = arith.addi %mul3A_0, %arg1 : i32
    %c0_i32 = arith.constant 0 : i32
    %c0_i32_1 = arith.constant 0 : i32
    return %c0_i32, %add3A : i32, i32
  }
  func.func @transform_2(%arg0: i32, %arg1: i32) -> (i32, i32) {
    %c0_i32 = arith.constant 0 : i32
    %c0_i32_0 = arith.constant 0 : i32
    %c0_i32_1 = arith.constant 0 : i32
    return %c0_i32, %c0_i32_0 : i32, i32
  }
  func.func @transform_3(%arg0: i32, %arg1: i32) -> (i32, i32) {
    %c0_i32 = arith.constant 0 : i32
    %c0_i32_0 = arith.constant 0 : i32
    %c0_i32_1 = arith.constant 0 : i32
    return %c0_i32, %c0_i32_0 : i32, i32
  }
  func.func @transform_4(%arg0: i32, %arg1: i32) -> (i32, i32) {
    %c0_i32 = arith.constant 0 : i32
    %c0_i32_0 = arith.constant 0 : i32
    return %arg0, %c0_i32 : i32, i32
  }
  func.func @transform_5(%arg0: i32, %arg1: i32) -> (i32, i32) {
    %c0_i32 = arith.constant 0 : i32
    %c0_i32_0 = arith.constant 0 : i32
    return %arg0, %c0_i32 : i32, i32
  }
}

</mosaic_0001>

<sc_bundles>
// kernel: kernel.4.cloned.1.call-start
scs
__scs_entry_jumppad:
0x0: {  	(pc) =	sbr.rel $0x88, $3  }
0x1: {  	(tag) =	ssettag $0x0;
	lr =	simm.s32 $0x1  }
0x2: {  	[smem:$0x3F9F] =	sst lr;
	_ =	strace $0xD0000000  }
0x3: {  	_ = 	snop  }
0x4: {  	_ = 	snop  }
0x5: {  	_ = 	snop  }
0x6: {  	_ = 	snop  }
0x7: {  	_ = 	snop  }
__scs_overlays_trampoline_lowered:
0x8: {  	[smem:$0x3FAE] =	sst s0  }
0x9: {  	[smem:$0x3FAF] =	sst s1  }
0xa: {  	[smem:$0x3FB0] =	sst s2  }
0xb: {  	[smem:$0x3FB1] =	sst s3  }
0xc: {  	[smem:$0x3FB2] =	sst s4  }
0xd: {  	[smem:$0x3FB3] =	sst s5  }
0xe: {  	[smem:$0x3FB4] =	sst s6  }
0xf: {  	[smem:$0x3FB5] =	sst s7  }
0x10: {  	[smem:$0x3FB6] =	sst s8  }
0x11: {  	[smem:$0x3FB7] =	sst s9;
	s0 =	simm.s32 @!p0 $0x0  }
0x12: {  	s1 =	sld [smem:$0x3F9D];
	s0 =	simm.s32 @p0 $0x1  }
0x13: {  	[smem:$0x3FB8] =	sst s0;
	s0 =	simm.s32 @!p1 $0x0  }
0x14: {  	s2 =	sld [smem:$0x3F9C];
	s0 =	simm.s32 @p1 $0x1  }
0x15: {  	[smem:$0x3FB9] =	sst s0;
	s0 =	simm.s32 @!p2 $0x0  }
0x16: {  	s3 =	sld [smem:$0x3FDB];
	s0 =	simm.s32 @p2 $0x1  }
0x17: {  	s4 =	simm.s32 $0x1BF5;
	[smem:$0x3FBB] =	sst s0  }
0x18: {  	s0 =	sld [smem:$0x3F9E];
	_ =	swait.ge [sflag:s4], $0x0  }
0x19: {  	s7 =	sld [smem:$0x3F9F]  }
0x1a: {  	s8 =	sadd.s32 $0xFFFFE003, lr  }
0x1b: {  	s9 =	sadd.s32 $0xFFFFFEF7, lr;
	s5 =	simm.s32 $0xFFFFFFFF;
	p2 =	slt.u32 s8, $0xFFFFF086  }
0x1c: {  	p1 =	slt.u32 s9, $0xF7A;
	s5 =	simm.s32 @!p2 $0x0  }
0x1d: {  	s5 =	simm.s32 @p1 $0x1;
	p0 =	seq.s32 s7, s2  }
0x1e: {  	s7 =	smul.u32 @!p0 $0xF7A, s2;
	p2 =	seq.s32 @!p0 s5, $0x0  }
0x1f: {  	s9 =	smul.u32 $0xF7A, s1;
	s8 =	simm.s32 @!p0 $0x1BF5;
	p2 =	por !p2, p0  }
0x20: {  	[sflag:s8] =	ssyncset.s32 @!p0 $0xFFFFF086;
	s6 =	sadd.s32 @!p0 s3, s7;
	s7 =	simm.s32 @!p0 $0x108  }
0x21: {  	s3 =	sadd.s32 s3, s9;
	s6 =	sadd.s32 @!p0 $0x88, s6;
	s7 =	simm.s32 @p2 $0x1082  }
0x22: {  	[simem:s7], [sflag:s8] =	dma.local @!p0 [hbm:s6], $0xF7A  }
0x23: {  	s9 =	sor.u32 $0xD0000000, s2;
	s6 =	simm.s32 $0x108;
	_ =	swait.ge @!p0 [sflag:s8], $0x0  }
0x24: {  	s3 =	sadd.s32 $0x88, s3;
	s6 =	simm.s32 @!p1 $0x1082;
	[sflag:s4] =	ssyncset.s32 $0xFFFFF086  }
0x25: {  	[simem:s6], [sflag:s4] =	dma.local [hbm:s3], $0xF7A  }
0x26: {  	[smem:$0x3F9F] =	sst s1;
	(tag) =	ssettag s2;
	_ =	strace s9  }
0x27: {  	s1 =	sld [smem:$0x3FAF]  }
0x28: {  	s2 =	sld [smem:$0x3FB0]  }
0x29: {  	s4 =	sld [smem:$0x3FB2]  }
0x2a: {  	p0 =	seq.s32 s5, $0x0;
	s5 =	sld [smem:$0x3FB3]  }
0x2b: {  	s6 =	sld [smem:$0x3FB4]  }
0x2c: {  	s7 =	sld [smem:$0x3FB5]  }
0x2d: {  	s3 =	simm.s32 $0x108;
	s8 =	sld [smem:$0x3FB6]  }
0x2e: {  	s3 =	simm.s32 @!p0 $0x1082;
	s9 =	sld [smem:$0x3FB7]  }
0x2f: {  	lr =	sadd.s32 s0, s3;
	s0 =	sld [smem:$0x3FAE]  }
0x30: {  	s3 =	sld [smem:$0x3FB1]  }
0x31: {  	[smem:$0x3FBA] =	sst s10  }
0x32: {  	s10 =	sld [smem:$0x3FB8];
	_ =	sdelay $0x3  }
0x33: {  	p0 =	seq.s32 s10, $0x1;
	s10 =	sld [smem:$0x3FBA];
	_ =	sdelay $0x3  }
0x34: {  	[smem:$0x3FBA] =	sst s10  }
0x35: {  	s10 =	sld [smem:$0x3FB9];
	_ =	sdelay $0x3  }
0x36: {  	p1 =	seq.s32 s10, $0x1;
	s10 =	sld [smem:$0x3FBA];
	_ =	sdelay $0x3  }
0x37: {  	[smem:$0x3FBA] =	sst s10  }
0x38: {  	s10 =	sld [smem:$0x3FBB]  }
0x39: {  	_ = 	snop;
	(pc) =	sbr.ind lr, $3  }
0x3a: {  	_ = 	snop  }
0x3b: {  	_ = 	snop  }
0x3c: {  	p2 =	seq.s32 s10, $0x1;
	s10 =	sld [smem:$0x3FBA]  }
0x3d: {  	_ =	shalt  }
0x3e: {  	_ =	shalt  }
0x3f: {  	_ =	shalt  }
0x40: {  	_ =	shalt  }
0x41: {  	_ =	shalt  }
0x42: {  	_ =	shalt  }
0x43: {  	_ =	shalt  }
0x44: {  	_ =	shalt  }
0x45: {  	_ =	shalt  }
0x46: {  	_ =	shalt  }
0x47: {  	_ =	shalt  }
0x48: {  	_ =	shalt  }
0x49: {  	_ =	shalt  }
0x4a: {  	_ =	shalt  }
0x4b: {  	_ =	shalt  }
0x4c: {  	_ =	shalt  }
0x4d: {  	_ =	shalt  }
0x4e: {  	_ =	shalt  }
0x4f: {  	_ =	shalt  }
0x50: {  	_ =	shalt  }
0x51: {  	_ =	shalt  }
0x52: {  	_ =	shalt  }
0x53: {  	_ =	shalt  }
0x54: {  	_ =	shalt  }
0x55: {  	_ =	shalt  }
0x56: {  	_ =	shalt  }
0x57: {  	_ =	shalt  }
0x58: {  	_ =	shalt  }
0x59: {  	_ =	shalt  }
0x5a: {  	_ =	shalt  }
0x5b: {  	_ =	shalt  }
0x5c: {  	_ =	shalt  }
0x5d: {  	_ =	shalt  }
0x5e: {  	_ =	shalt  }
0x5f: {  	_ =	shalt  }
0x60: {  	_ =	shalt  }
0x61: {  	_ =	shalt  }
0x62: {  	_ =	shalt  }
0x63: {  	_ =	shalt  }
0x64: {  	_ =	shalt  }
0x65: {  	_ =	shalt  }
0x66: {  	_ =	shalt  }
0x67: {  	_ =	shalt  }
0x68: {  	_ =	shalt  }
0x69: {  	_ =	shalt  }
0x6a: {  	_ =	shalt  }
0x6b: {  	_ =	shalt  }
0x6c: {  	_ =	shalt  }
0x6d: {  	_ =	shalt  }
0x6e: {  	_ =	shalt  }
0x6f: {  	_ =	shalt  }
0x70: {  	_ =	shalt  }
0x71: {  	_ =	shalt  }
0x72: {  	_ =	shalt  }
0x73: {  	_ =	shalt  }
0x74: {  	_ =	shalt  }
0x75: {  	_ =	shalt  }
0x76: {  	_ =	shalt  }
0x77: {  	_ =	shalt  }
0x78: {  	_ =	shalt  }
0x79: {  	_ =	shalt  }
0x7a: {  	_ =	shalt  }
0x7b: {  	_ =	shalt  }
0x7c: {  	_ =	shalt  }
0x7d: {  	_ =	shalt  }
0x7e: {  	_ =	shalt  }
0x7f: {  	_ =	shalt  }
0x80: {  	_ =	shalt  }
0x81: {  	_ =	shalt  }
0x82: {  	_ =	shalt  }
0x83: {  	_ =	shalt  }
0x84: {  	_ =	shalt  }
0x85: {  	_ =	shalt  }
0x86: {  	_ =	shalt  }
0x87: {  	_ =	shalt  }
.Lfunc_end0:
.L_simem_size_0:
called_computation_lowered:
.L_overlay_start_0:
0x88: {  	s2 =	sld [smem:$0x3FD9]  }
0x89: {  	s3 =	sld [smem:$0x3FFE];
	_ =	sdelay $0x1  }
0x8a: {  	s1 =	srdreg.scid  }
0x8b: {  	s0 =	sand.u32 $0x1, s1  }
0x8c: {  	s14 =	sshll.u32 s0, $0xA;
	s2 =	sadd.s32 s3, s2  }
0x8d: {  	s2 =	sadd.s32 s2, s14  }
0x8e: {  	[smem:$0x3FC6] =	sst s2  }
0x8f: {  	_ = 	snop  }
0x90: {  	s2 =	sld [smem:$0x3FD0];
	_ =	sdelay $0x2  }
0x91: {  	s15 =	simm.s32 $0xA;
	s4 =	simm.s32 $0x10  }
0x92: {  	[smem:s4], [sflag:s15] =	dma.local [hbm:s2], $0x1  }
0x93: {  	_ =	swait.eq [sflag:s15], $0x1  }
0x94: {  	[sflag:s15] =	ssyncset.done $0x0  }
0x95: {  	[sflag:s15] =	ssyncadd.s32 $0xFFFFFFFF  }
0x96: {  	s16 =	sld [smem:$0x11];
	(tm) =	ssettm $0x1  }
0x97: {  	s17 =	sld [smem:$0x3FFB];
	_ =	sdelay $0x3  }
0x98: {  	_ =	strace s17  }
0x99: {  	s3 =	sld [smem:$0x3FFC];
	_ =	sdelay $0x3  }
0x9a: {  	_ =	strace s3  }
0x9b: {  	s3 =	sld [smem:$0x3FFD];
	_ =	sdelay $0x3  }
0x9c: {  	_ =	strace s3  }
0x9d: {  	_ =	strace $0x8FFFFFFF  }
0x9e: {  	s18 =	sld [smem:$0x3FDB];
	_ =	sdelay $0x1  }
0x9f: {  	s19 =	simm.s32 $_scs_section_size  }
0xa0: {  	s5 =	simm.s32 $_size__tile_overlayer_lowered;
	s6 =	simm.s32 $_tile_overlayer_lowered  }
0xa1: {  	s22 =	simm.s32 $0x1BFF;
	s21 =	sshll.u32 s6, $0x1;
	s3 =	sadd.s32 s19, s18  }
0xa2: {  	s7 =	simm.s32 $0x0;
	s20 =	sshll.u32 s5, $0x1;
	s5 =	sadd.s32 s21, s3  }
0xa3: {  	[timem:s7], [sflag:s22] =	dma.local [hbm:s5], s20  }
0xa4: {  	_ =	swait.ge [sflag:s22], s20  }
0xa5: {  	s4 =	ssub.s32 $0x0, s20;
	[sflag:s22] =	ssyncset.done $0x0  }
0xa6: {  	[sflag:s22] =	ssyncadd.s32 s4;
	_ =	sdelay $0x1  }
0xa7: {  	s23 =	simm.s32 $0x1B8B  }
0xa8: {  	_ =	swait.ge [sflag:s23], $0x1  }
0xa9: {  	[sflag:s23] =	ssyncset.done $0x0  }
0xaa: {  	s25 =	simm.s32 $0x1B8E;
	s24 =	sld [smem:$0x3FFE];
	[sflag:s23] =	ssyncadd.s32 $0xFFFFFFFF  }
0xab: {  	s26 =	simm.s32 $execute0_lowered;
	[smem:$0x3FD2] =	sst s25  }
0xac: {  	s5 =	sshll.u32 s26, $0x1;
	_ =	strace $0x80000046;
	[dreg:$0x1] =	wrdreg $0xFFFFFFFF  }
0xad: {  	s28 =	simm.s32 $_size_execute0_lowered;
	s3 =	sadd.s32 s3, s5;
	[dreg:$0x0] =	wrdreg $0x0  }
0xae: {  	s5 =	sshll.u32 s28, $0x1;
	[dreg:$0x2] =	wrdreg s3  }
0xaf: {  	[dreg:$0x3] =	wrdreg s5  }
0xb0: {  	[dreg:$0x4] =	wrdreg $0xC0  }
0xb1: {  	_ =	task [dreg:s7], $0x5FFFF  }
0xb2: {  	[dreg:$0x1] =	wrdreg $0xFFFFFFFF  }
0xb3: {  	[dreg:$0x0] =	wrdreg $0x60  }
0xb4: {  	[dreg:$0x2] =	wrdreg s24  }
0xb5: {  	[dreg:$0x3] =	wrdreg s16  }
0xb6: {  	[dreg:$0x4] =	wrdreg $0x9  }
0xb7: {  	_ =	task.clear_ibuf [dreg:s7], $0x5FFFF;
	_ =	strace $0x90000046  }
0xb8: {  	s29 =	simm.s32 $0x9;
	_ =	strace $0x80000048  }
0xb9: {  	_ =	swait.ge [sflag:s29], $0x1  }
0xba: {  	[sflag:s29] =	ssyncadd.s32 $0xFFFFFFFF  }
0xbb: {  	_ =	strace $0x90000048  }
0xbc: {  	_ =	sfence  }
0xbd: {  	s30 =	sld [smem:$0x0];
	_ =	sdelay $0x2  }
0xbe: {  	s31 =	sshll.u32 s1, $0xD;
	s1 =	sshrl.u32 s1, $0x2  }
0xbf: {  	s3 =	sand.u32 $0x4000, s31;
	s1 =	sadd.s32 s1, s30  }
0xc0: {  	s0 =	sor.u32 s3, s0;
	s1 =	sshll.u32 s1, $0x11  }
0xc1: {  	s0 =	sor.u32 s1, s0  }
0xc2: {  	s0 =	sadd.s32 $0x8F2B, s0  }
0xc3: {  	[sflag:s0] =	ssyncadd.remote.s32 $0x1  }
0xc4: {  	_ =	sfence.sel $0xFFFF  }
0xc5: {  	[dreg:$0x0] =	wrdreg $0xFFFFFFFF;
	(pc) =	sbr.abs _section_cstart, $3  }
0xc6: {  	[dreg:$0x1] =	wrdreg $0xFFFFFFFF  }
0xc7: {  	_ =	task.clear_ibuf [dreg:s7], $0x2FFFF;
	_ =	strace $0x9FFFFFFF  }
0xc8: {  	(tm) =	ssettm $0x7FFFFFFF  }
0xc9: {  	_ =	shalt  }
tec
execute0_lowered:
.L_overlay_start_1:
0x0: {  	(tag) =	ssettag $0x1  }
0x1: {  	s1 =	rddreg [dreg:$0x0];
	s0 =	srdreg.scid  }
0x2: {  	s14 =	rddreg [dreg:$0x1];
	s15 =	sand.u32 $0x1, s0  }
0x3: {  	s2 =	stileid.u32;
	s3 =	simm.s32 $0x0;
	s4 =	sshll.u32 s15, $0x6  }
0x4: {  	s0 =	rddreg [dreg:$0x2];
	s5 =	sshll.u32 s2, $0x7;
	s4 =	sadd.s32 s4, s1  }
0x5: {  	[smem:$0x7FF] =	sst s3;
	s4 =	sadd.s32 s5, s4  }
0x6: {  	_ =	strace $0x80000047;
	s5 =	sadd.s32 $0x20000, s4;
	s4 =	simm.s32 $0x2  }
0x7: {  	[tilespmem:s3], [sflag:$0x2] =	stream.linear.gather [hbm4b:s5+s3], $0x200, $0x38;
	[tilespmem:$0x10200] =	vst v63  }
0x8: {  	_ =	swait.ge [sflag:s4], $0x200  }
0x9: {  	[sflag:s4] =	ssyncset.done $0x0  }
0xa: {  	s6 =	simm.s32 $0x80;
	s7 =	simm.s32 $0x200;
	[sflag:s4] =	ssyncadd.s32 $0xFFFFFE00  }
0xb: {  	[tilespmem:s7], [sflag:$0x1] =	stream.indirect.gather [hbm4b:s1+s6], $0x80, s3, s6, $0xb8;
	[tilespmem:$0x10200] =	vst v63  }
0xc: {  	s8 =	simm.s32 $0x4200  }
0xd: {  	[tilespmem:s8], [sflag:$0x1] =	stream.indirect.gather [hbm4b:s1+s6], $0x80, s6, s6, $0xb8;
	[tilespmem:$0x10200] =	vst v63  }
0xe: {  	s9 =	simm.s32 $0x100;
	s10 =	simm.s32 $0x8200  }
0xf: {  	[tilespmem:s10], [sflag:$0x1] =	stream.indirect.gather [hbm4b:s1+s6], $0x80, s9, s6, $0xb8;
	[tilespmem:$0x10200] =	vst v63  }
0x10: {  	s11 =	simm.s32 $0x180;
	s12 =	simm.s32 $0xC200;
	s13 =	simm.s32 $0x1  }
0x11: {  	[tilespmem:s12], [sflag:$0x1] =	stream.indirect.gather [hbm4b:s1+s6], $0x80, s11, s6, $0xb8;
	[tilespmem:$0x10200] =	vst v63  }
0x12: {  	_ =	swait.ge [sflag:s13], $0x4000  }
0x13: {  	[sflag:s13] =	ssyncset.done $0x0  }
0x14: {  	[sflag:s13] =	ssyncadd.s32 $0xFFFFC000  }
0x15: {  	_ =	swait.ge [sflag:s13], $0x4000  }
0x16: {  	[sflag:s13] =	ssyncset.done $0x0  }
0x17: {  	s16 =	ssub.s32 $0x2, s15;
	[sflag:s13] =	ssyncadd.s32 $0xFFFFC000  }
0x18: {  	s17 =	sshrl.u32 s16, $0x1;
	_ =	swait.ge [sflag:s13], $0x4000  }
0x19: {  	s16 =	ssub.s32 s16, s17;
	[sflag:s13] =	ssyncset.done $0x0  }
0x1a: {  	s30 =	sshll.u32 s2, $0xE;
	s31 =	smax.u32 s16, $0x1;
	[sflag:s13] =	ssyncadd.s32 $0xFFFFC000  }
0x1b: {  	s15 =	sshll.u32 s15, $0xD;
	p0 =	sne.s32 s31, $0x1;
	_ =	swait.ge [sflag:s13], $0x4000  }
.Ltmp0:
0x1c: {  	s14 =	sadd.s32 s14, s15;
	[sflag:s13] =	ssyncset.done $0x0;
	(pc) =	sbr.rel @!p0 .LBB2_2-.Ltmp0, $4  }
0x1d: {  	s14 =	sadd.s32 s30, s14;
	[sflag:s13] =	ssyncadd.s32 $0xFFFFC000  }
0x1e: {  	[hbm4b:s14+s3] =	stream.linear.scatter [tilespmem:s7], [sflag:$0x2], $0x10000, $0x38;
	[tilespmem:$0x10200] =	vst v63  }
0x1f: {  	_ =	swait.ge [sflag:s4], $0x10000  }
0x20: {  	s15 =	sadd.s32 $0xFFFFFFFF, s31;
	[sflag:s4] =	ssyncset.done $0x0  }
.LBB2_1:
0x21: {  	p0 =	sne.s32 s15, $0x1;
	s15 =	sadd.s32 $0xFFFFFFFF, s15;
	[sflag:s4] =	ssyncadd.s32 $0xFFFF0000  }
0x22: {  	[tilespmem:s3], [sflag:$0x2] =	stream.linear.gather [hbm4b:s5+s3], $0x200, $0x38;
	[tilespmem:$0x10200] =	vst v63  }
0x23: {  	_ =	swait.ge [sflag:s4], $0x200  }
0x24: {  	[sflag:s4] =	ssyncset.done $0x0  }
0x25: {  	[sflag:s4] =	ssyncadd.s32 $0xFFFFFE00  }
0x26: {  	[tilespmem:s7], [sflag:$0x1] =	stream.indirect.gather [hbm4b:s1+s6], $0x80, s3, s6, $0xb8;
	[tilespmem:$0x10200] =	vst v63  }
0x27: {  	_ = 	snop  }
0x28: {  	[tilespmem:s8], [sflag:$0x1] =	stream.indirect.gather [hbm4b:s1+s6], $0x80, s6, s6, $0xb8;
	[tilespmem:$0x10200] =	vst v63  }
0x29: {  	_ = 	snop  }
0x2a: {  	[tilespmem:s10], [sflag:$0x1] =	stream.indirect.gather [hbm4b:s1+s6], $0x80, s9, s6, $0xb8;
	[tilespmem:$0x10200] =	vst v63  }
0x2b: {  	_ = 	snop  }
0x2c: {  	[tilespmem:s12], [sflag:$0x1] =	stream.indirect.gather [hbm4b:s1+s6], $0x80, s11, s6, $0xb8;
	[tilespmem:$0x10200] =	vst v63  }
0x2d: {  	_ =	swait.ge [sflag:s13], $0x4000  }
0x2e: {  	[sflag:s13] =	ssyncset.done $0x0  }
0x2f: {  	[sflag:s13] =	ssyncadd.s32 $0xFFFFC000  }
0x30: {  	_ =	swait.ge [sflag:s13], $0x4000  }
0x31: {  	[sflag:s13] =	ssyncset.done $0x0  }
0x32: {  	[sflag:s13] =	ssyncadd.s32 $0xFFFFC000  }
0x33: {  	_ =	swait.ge [sflag:s13], $0x4000  }
0x34: {  	[sflag:s13] =	ssyncset.done $0x0  }
0x35: {  	[sflag:s13] =	ssyncadd.s32 $0xFFFFC000  }
0x36: {  	_ =	swait.ge [sflag:s13], $0x4000  }
.Ltmp1:
0x37: {  	[sflag:s13] =	ssyncset.done $0x0;
	(pc) =	sbr.rel @p0 .LBB2_1-.Ltmp1, $4  }
0x38: {  	[sflag:s13] =	ssyncadd.s32 $0xFFFFC000  }
0x39: {  	[hbm4b:s14+s3] =	stream.linear.scatter [tilespmem:s7], [sflag:$0x2], $0x10000, $0x38;
	[tilespmem:$0x10200] =	vst v63  }
0x3a: {  	_ =	swait.ge [sflag:s4], $0x10000  }
0x3b: {  	[sflag:s4] =	ssyncset.done $0x0  }
.LBB2_2:
0x3c: {  	[sflag:s4] =	ssyncadd.s32 $0xFFFF0000  }
0x3d: {  	_ =	sfence.sel $0x180000  }
0x3e: {  	[bflag:$0x0] =	sbarrier.arrive $0xFFFF  }
0x3f: {  	p0 =	sne.s32 s2, $0x0;
	_ =	strace $0x90000047  }
0x40: {  	s0 =	sadd.s32 @!p0 $0x100000, s0;
	[bflag:$0x2] =	sbarrier.arrive $0xFFFF  }
0x41: {  	[sflag:s0] =	ssyncadd.tile.s32 @!p0 $0x1;
	_ =	shalt  }
.Lfunc_end2:
_tile_overlayer_lowered:
.L_overlay_start_2:
0x42: {  	(tag) =	ssettag $0x2  }
0x43: {  	s0 =	rddreg [dreg:$0x0];
	s2 =	stileid.u32  }
0x44: {  	s1 =	rddreg [dreg:$0x1];
	p0 =	sne.s32 s2, $0x0  }
0x45: {  	s3 =	rddreg [dreg:$0x2];
	[bflag:$0x3] =	sbarrier.arrive $0xFFFF;
	s2 =	simm.s32 @!p0 $0x1C02  }
0x46: {  	[timem:s3], [sflag:s2] =	dma.local @!p0 [hbm:s0], s1  }
0x47: {  	s0 =	simm.s32 @!p0 $0x2  }
0x48: {  	_ =	swait.ge @!p0 [sflag:s0], s1  }
0x49: {  	s1 =	ssub.s32 @!p0 $0x0, s1;
	[sflag:s0] =	ssyncset.done @!p0 $0x0  }
0x4a: {  	[sflag:s0] =	ssyncadd.s32 @!p0 s1  }
0x4b: {  	[bflag:$0x3] =	sbarrier.arrive $0xFFFF  }
0x4c: {  	_ =	shalt  }

</sc_bundles>
